<compile_context>
chip_gen: v7x
topology: tpu7x:2x2x1
jax: 0.10.2.dev20260603
libtpu: 0.0.44.dev20260713+nightly
codegen_flags: <defaults>
</compile_context>

<pallas_src>
import jax
import jax.numpy as jnp
from jax import lax
from jax.experimental import pallas as pl
from jax.experimental.pallas import tpu as pltpu
from jax.experimental.pallas import tpu_sc as plsc

D = 64
B = 1024
S = 200
NT = 20
SG = S - NT
V = 1000000
NC = 2
NS = 16
NW = NC * NS
BPW = B // NW
CH = 96
IW = 2 * CH
RV = NT + IW
NBUF = 4
GDEPTH = 2

VPAD = 1000064
NBLK = VPAD // 128
BPW0 = (NBLK + NW - 1) // NW


def _tp_body(wte_t_hbm, t128_hbm, tin, tout, isem, osem):
    w = lax.axis_index("s") * NC + lax.axis_index("c")
    base = w * BPW0
    lanes = lax.iota(jnp.int32, 16)

    def drain_o():
        pltpu.make_async_copy(
            t128_hbm.at[pl.ds(0, 128)], tout.at[pl.ds(0, 128)], osem).wait()

    def drain_i():
        pltpu.make_async_copy(
            t128_hbm.at[pl.ds(0, 64)], tin.at[pl.ds(0, 64)], isem).wait()

    for q in range(3):
        @pl.when(base + q < NBLK)
        def _():
            pltpu.async_copy(wte_t_hbm.at[:, pl.ds((base + q) * 128, 128)],
                             tin.at[pl.ds(q * 64, 64)], isem)

    def body(i, carry):
        vh = base + i

        @pl.when(vh < NBLK)
        def _():
            drain_i()

            @pl.when((i < BPW0 - 3) & (vh + 3 < NBLK))
            def _():
                pltpu.async_copy(
                    wte_t_hbm.at[:, pl.ds((vh + 3) * 128, 128)],
                    tin.at[pl.ds(lax.rem(i + 3, 4) * 64, 64)], isem)

            @pl.when(i >= 4)
            def _():
                drain_o()

            pin64 = lax.rem(i, 4) * 64
            pin128 = lax.rem(i, 4) * 128

            @plsc.parallel_loop(0, 16)
            def ebody(j):
                dv0 = (lanes + j) & 15
                for r0 in (0, 16):
                    dv = dv0 + r0
                    dv2 = dv + pin64
                    vals = [plsc.load_gather(tin, [dv2, lanes + cb * 16])
                            for cb in range(8)]
                    for cb in range(8):
                        plsc.store_scatter(
                            tout, [lanes + cb * 16 + pin128, dv], vals[cb])
            pltpu.async_copy(tout.at[pl.ds(pin128, 128)],
                             t128_hbm.at[pl.ds(vh * 128, 128)], osem)

        return carry

    lax.fori_loop(0, BPW0, body, 0)
    for r in (4, 3, 2, 1):
        @pl.when(NBLK - base >= r)
        def _():
            drain_o()


def _sc_body(tok_hbm, t128_hbm, learned_hbm, out_hbm, idx_raw, idx_t, rows_v,
             gsem, osem):
    w = lax.axis_index("s") * NC + lax.axis_index("c")

    def drain_out():
        pltpu.make_async_copy(
            out_hbm.at[0], rows_v.at[0, pl.ds(0, S), pl.ds(0, D)],
            osem).wait()

    def drain_gather():
        pltpu.make_async_copy(
            t128_hbm.at[pl.ds(0, CH)], rows_v.at[0, pl.ds(NT, CH)],
            gsem).wait()

    pltpu.sync_copy(tok_hbm.at[pl.ds(NT, SG), pl.ds(w * BPW, BPW)], idx_raw)
    for k in range(NBUF):
        pltpu.sync_copy(learned_hbm, rows_v.at[k, pl.ds(0, NT), pl.ds(0, D)])

    lanes = lax.iota(jnp.int32, 16)

    def tbody(j, carry):
        colj = jnp.full((16,), j, jnp.int32)
        for k in range(IW // 16):
            rows = jnp.minimum(k * 16 + lanes, SG - 1)
            idx_t[j, pl.ds(k * 16, 16)] = plsc.load_gather(idx_raw, [rows, colj])
        return carry

    lax.fori_loop(0, BPW, tbody, 0)

    def body(j, carry):
        p = lax.rem(j, NBUF)

        @pl.when(j >= NBUF)
        def _():
            drain_out()

        @pl.when(j < BPW)
        def _():
            pltpu.async_copy(
                t128_hbm.at[idx_t.at[j, pl.ds(0, CH)]],
                rows_v.at[p, pl.ds(NT, CH)], gsem)
            pltpu.async_copy(
                t128_hbm.at[idx_t.at[j, pl.ds(CH, CH)]],
                rows_v.at[p, pl.ds(NT + CH, CH)], gsem)

        @pl.when(j >= GDEPTH)
        def _():
            t = j - GDEPTH
            q = lax.rem(t, NBUF)
            drain_gather()
            drain_gather()
            pltpu.async_copy(
                rows_v.at[q, pl.ds(0, S), pl.ds(0, D)],
                out_hbm.at[w * BPW + t], osem)

        return carry

    lax.fori_loop(0, BPW + GDEPTH, body, 0)
    for _ in range(NBUF - GDEPTH):
        drain_out()


@jax.jit
def _gather(tok_t, wte_t, learned_embedding):
    mesh = plsc.VectorSubcoreMesh(core_axis_name="c", subcore_axis_name="s")
    t128 = pl.kernel(
        _tp_body,
        out_type=jax.ShapeDtypeStruct((VPAD, 128), jnp.float32),
        mesh=mesh,
        scratch_types=[
            pltpu.VMEM((256, 128), jnp.float32),
            pltpu.VMEM((512, 128), jnp.float32),
            pltpu.SemaphoreType.DMA,
            pltpu.SemaphoreType.DMA,
        ],
        compiler_params=pltpu.CompilerParams(
            use_tc_tiling_on_sc=True, needs_layout_passes=False,
            disable_bounds_checks=True),
    )(wte_t)
    return pl.kernel(
        _sc_body,
        out_type=jax.ShapeDtypeStruct((B, S, D), jnp.float32),
        mesh=mesh,
        scratch_types=[
            pltpu.VMEM((SG, BPW), jnp.int32),
            pltpu.VMEM((BPW, IW), jnp.int32),
            pltpu.VMEM((NBUF, RV, 128), jnp.float32),
            pltpu.SemaphoreType.DMA,
            pltpu.SemaphoreType.DMA,
        ],
        compiler_params=pltpu.CompilerParams(
            use_tc_tiling_on_sc=False, needs_layout_passes=False),
    )(tok_t, t128, learned_embedding)


def kernel(tokens, wte_weight, learned_embedding):
    tok_t = jnp.swapaxes(tokens, 0, 1)
    wte_t = jnp.swapaxes(wte_weight, 0, 1)
    return _gather(tok_t, wte_t, learned_embedding)

# --- scband reference (transcript-rebuilt; emitter-appended) ---
"""Pipeline reference for scband-promptembedding-40484361732244 (READ-ONLY COPY).

The authoritative reference and input builder live on the scoring server;
editing this copy changes nothing except your own understanding.
"""

import jax, jax.numpy as jnp
import numpy as np

VOCAB = 1000000
EMBED_DIM = 64
BATCH = 1024
SEQ = 200
N_TOKENS = 20


def setup_inputs(seed: int = 0) -> dict:
    key = jax.random.key(seed)
    k_tok, k_wte, k_learned = jax.random.split(key, 3)
    tokens = jax.random.randint(k_tok, (BATCH, SEQ), 0, VOCAB, dtype=jnp.int64 if jax.config.jax_enable_x64 else jnp.int32).astype(jnp.int32)
    wte_weight = jax.random.normal(k_wte, (VOCAB, EMBED_DIM), dtype=jnp.float32) * 0.02
    # initialize_from_vocab=True: learned_embedding = wte.weight[:n_tokens]
    learned_embedding = wte_weight[:N_TOKENS]
    return {"tokens": tokens, "wte_weight": wte_weight, "learned_embedding": learned_embedding}


def reference(tokens, wte_weight, learned_embedding):
    # input_embedding = self.wte(tokens[:, self.n_tokens:])
    input_embedding = jnp.take(wte_weight, tokens[:, N_TOKENS:], axis=0)
    # learned_embedding = self.learned_embedding.repeat(B, 1, 1)
    b = input_embedding.shape[0]
    learned = jnp.broadcast_to(learned_embedding[None, :, :], (b, N_TOKENS, EMBED_DIM))
    return jnp.concatenate([learned, input_embedding], axis=1)

if __name__ == "__main__":
    import jax
    _d = setup_inputs()
    print(jax.jit(kernel)(*tuple(_d.values())))

</pallas_src>

<mosaic_0001>
#map = affine_map<(d0, d1) -> (0, 0)>
module attributes {stable_mosaic.version = 14 : i64} {
  func.func @_tp_body(%arg0: i32, %arg1: i32, %arg2: memref<64x1000000xf32, #tpu.memory_space<hbm>>, %arg3: memref<1000064x128xf32, #tpu.memory_space<hbm>>, %arg4: memref<256x128xf32, #tpu.memory_space<vmem>>, %arg5: memref<512x128xf32, #tpu.memory_space<vmem>>, %arg6: memref<!tpu.dma_semaphore, #tpu.memory_space<semaphore_mem>>, %arg7: memref<!tpu.dma_semaphore, #tpu.memory_space<semaphore_mem>>) attributes {dimension_semantics = [#tpu.dimension_semantics<core_parallel>, #tpu.dimension_semantics<subcore_parallel>], iteration_bounds = array<i64: 2, 16>, scalar_prefetch = 0 : i64, scratch_operands = 4 : i64, tpu.core_type = #tpu.core_type<sc_vector_subcore>, window_params = [{transform_indices = #map}, {transform_indices = #map}]} {
    %mul3A = arith.constant 2 : i32
    %mul3A_0 = arith.muli %arg1, %mul3A : i32
    %add3A = arith.addi %mul3A_0, %arg0 : i32
    %mul3A_1 = arith.constant 245 : i32
    %mul3A_2 = arith.muli %add3A, %mul3A_1 : i32
    %iota3A = tpu.iota {dimensions = array<i32: 0>} : vector<16xi32>
    %add3A_3 = arith.constant 0 : i32
    %add3A_4 = arith.addi %mul3A_2, %add3A_3 : i32
    %lt3A = arith.constant 7813 : i32
    %lt3A_5 = arith.cmpi slt, %add3A_4, %lt3A : i32
    %convert_element_type3A = arith.extui %lt3A_5 : i1 to i32
    %cond3A = arith.constant 0 : i32
    %cond3A_6 = arith.cmpi ne, %convert_element_type3A, %cond3A : i32
    scf.if %cond3A_6 {
      %add3A_52 = arith.constant 0 : i32
      %add3A_53 = arith.addi %mul3A_2, %add3A_52 : i32
      %mul3A_54 = arith.constant 128 : i32
      %mul3A_55 = arith.muli %add3A_53, %mul3A_54 : i32
      %dma_start3A = arith.constant 0 : i32
      %dma_start3A_56 = arith.constant 0 : i32
      %dma_start3A_57 = tpu.memref_slice %arg4[%dma_start3A, %dma_start3A_56] : memref<256x128xf32, #tpu.memory_space<vmem>> -> memref<64x128xf32, #tpu.memory_space<vmem>>
      %dma_start3A_58 = arith.constant 0 : i32
      %dma_start3A_59 = tpu.memref_slice %arg2[%dma_start3A_58, %mul3A_55] : memref<64x1000000xf32, #tpu.memory_space<hbm>> -> memref<64x128xf32, #tpu.memory_space<hbm>>
      %dma_start3A_60 = arith.constant 0 : i32
      %dma_start3A_61 = arith.constant 0 : i32
      %dma_start3A_62 = tpu.memref_slice %arg4[%dma_start3A_60, %dma_start3A_61] : memref<256x128xf32, #tpu.memory_space<vmem>> -> memref<64x128xf32, #tpu.memory_space<vmem>>
      %dma_start3A_63 = arith.constant 0 : i32
      %dma_start3A_64 = tpu.memref_slice %arg2[%dma_start3A_63, %mul3A_55] : memref<64x1000000xf32, #tpu.memory_space<hbm>> -> memref<64x128xf32, #tpu.memory_space<hbm>>
      tpu.enqueue_dma source(%dma_start3A_64 : memref<64x128xf32, #tpu.memory_space<hbm>>) target(%dma_start3A_62 : memref<64x128xf32, #tpu.memory_space<vmem>>) target_semaphore(%arg6 : memref<!tpu.dma_semaphore, #tpu.memory_space<semaphore_mem>>)
    } else {
    }
    %add3A_7 = arith.constant 1 : i32
    %add3A_8 = arith.addi %mul3A_2, %add3A_7 : i32
    %lt3A_9 = arith.constant 7813 : i32
    %lt3A_10 = arith.cmpi slt, %add3A_8, %lt3A_9 : i32
    %convert_element_type3A_11 = arith.extui %lt3A_10 : i1 to i32
    %cond3A_12 = arith.constant 0 : i32
    %cond3A_13 = arith.cmpi ne, %convert_element_type3A_11, %cond3A_12 : i32
    scf.if %cond3A_13 {
      %add3A_52 = arith.constant 1 : i32
      %add3A_53 = arith.addi %mul3A_2, %add3A_52 : i32
      %mul3A_54 = arith.constant 128 : i32
      %mul3A_55 = arith.muli %add3A_53, %mul3A_54 : i32
      %dma_start3A = arith.constant 64 : i32
      %dma_start3A_56 = arith.constant 0 : i32
      %dma_start3A_57 = tpu.memref_slice %arg4[%dma_start3A, %dma_start3A_56] : memref<256x128xf32, #tpu.memory_space<vmem>> -> memref<64x128xf32, #tpu.memory_space<vmem>>
      %dma_start3A_58 = arith.constant 0 : i32
      %dma_start3A_59 = tpu.memref_slice %arg2[%dma_start3A_58, %mul3A_55] : memref<64x1000000xf32, #tpu.memory_space<hbm>> -> memref<64x128xf32, #tpu.memory_space<hbm>>
      %dma_start3A_60 = arith.constant 64 : i32
      %dma_start3A_61 = arith.constant 0 : i32
      %dma_start3A_62 = tpu.memref_slice %arg4[%dma_start3A_60, %dma_start3A_61] : memref<256x128xf32, #tpu.memory_space<vmem>> -> memref<64x128xf32, #tpu.memory_space<vmem>>
      %dma_start3A_63 = arith.constant 0 : i32
      %dma_start3A_64 = tpu.memref_slice %arg2[%dma_start3A_63, %mul3A_55] : memref<64x1000000xf32, #tpu.memory_space<hbm>> -> memref<64x128xf32, #tpu.memory_space<hbm>>
      tpu.enqueue_dma source(%dma_start3A_64 : memref<64x128xf32, #tpu.memory_space<hbm>>) target(%dma_start3A_62 : memref<64x128xf32, #tpu.memory_space<vmem>>) target_semaphore(%arg6 : memref<!tpu.dma_semaphore, #tpu.memory_space<semaphore_mem>>)
    } else {
    }
    %add3A_14 = arith.constant 2 : i32
    %add3A_15 = arith.addi %mul3A_2, %add3A_14 : i32
    %lt3A_16 = arith.constant 7813 : i32
    %lt3A_17 = arith.cmpi slt, %add3A_15, %lt3A_16 : i32
    %convert_element_type3A_18 = arith.extui %lt3A_17 : i1 to i32
    %cond3A_19 = arith.constant 0 : i32
    %cond3A_20 = arith.cmpi ne, %convert_element_type3A_18, %cond3A_19 : i32
    scf.if %cond3A_20 {
      %add3A_52 = arith.constant 2 : i32
      %add3A_53 = arith.addi %mul3A_2, %add3A_52 : i32
      %mul3A_54 = arith.constant 128 : i32
      %mul3A_55 = arith.muli %add3A_53, %mul3A_54 : i32
      %dma_start3A = arith.constant 128 : i32
      %dma_start3A_56 = arith.constant 0 : i32
      %dma_start3A_57 = tpu.memref_slice %arg4[%dma_start3A, %dma_start3A_56] : memref<256x128xf32, #tpu.memory_space<vmem>> -> memref<64x128xf32, #tpu.memory_space<vmem>>
      %dma_start3A_58 = arith.constant 0 : i32
      %dma_start3A_59 = tpu.memref_slice %arg2[%dma_start3A_58, %mul3A_55] : memref<64x1000000xf32, #tpu.memory_space<hbm>> -> memref<64x128xf32, #tpu.memory_space<hbm>>
      %dma_start3A_60 = arith.constant 128 : i32
      %dma_start3A_61 = arith.constant 0 : i32
      %dma_start3A_62 = tpu.memref_slice %arg4[%dma_start3A_60, %dma_start3A_61] : memref<256x128xf32, #tpu.memory_space<vmem>> -> memref<64x128xf32, #tpu.memory_space<vmem>>
      %dma_start3A_63 = arith.constant 0 : i32
      %dma_start3A_64 = tpu.memref_slice %arg2[%dma_start3A_63, %mul3A_55] : memref<64x1000000xf32, #tpu.memory_space<hbm>> -> memref<64x128xf32, #tpu.memory_space<hbm>>
      tpu.enqueue_dma source(%dma_start3A_64 : memref<64x128xf32, #tpu.memory_space<hbm>>) target(%dma_start3A_62 : memref<64x128xf32, #tpu.memory_space<vmem>>) target_semaphore(%arg6 : memref<!tpu.dma_semaphore, #tpu.memory_space<semaphore_mem>>)
    } else {
    }
    %scan3A = arith.constant 0 : i32
    %scan3A_21 = arith.constant 0 : i32
    %scan3A_22 = arith.constant 245 : i32
    %scan3A_23 = arith.addi %scan3A_21, %scan3A_22 : i32
    %scan3A_24 = arith.constant 1 : i32
    scf.for %scan3A_52 = %scan3A_21 to %scan3A_23 step %scan3A_24  : i32 {
      %add3A_53 = arith.addi %mul3A_2, %scan3A_52 : i32
      %lt3A_54 = arith.constant 7813 : i32
      %lt3A_55 = arith.cmpi slt, %add3A_53, %lt3A_54 : i32
      %convert_element_type3A_56 = arith.extui %lt3A_55 : i1 to i32
      %cond3A_57 = arith.constant 0 : i32
      %cond3A_58 = arith.cmpi ne, %convert_element_type3A_56, %cond3A_57 : i32
      scf.if %cond3A_58 {
        %dma_wait3A = arith.constant 0 : i32
        %dma_wait3A_59 = arith.constant 0 : i32
        %dma_wait3A_60 = tpu.memref_slice %arg4[%dma_wait3A, %dma_wait3A_59] : memref<256x128xf32, #tpu.memory_space<vmem>> -> memref<64x128xf32, #tpu.memory_space<vmem>>
        %dma_wait3A_61 = arith.constant 0 : i32
        %dma_wait3A_62 = arith.constant 0 : i32
        %dma_wait3A_63 = tpu.memref_slice %arg3[%dma_wait3A_61, %dma_wait3A_62] : memref<1000064x128xf32, #tpu.memory_space<hbm>> -> memref<64x128xf32, #tpu.memory_space<hbm>>
        %dma_wait3A_64 = arith.constant 0 : i32
        %dma_wait3A_65 = arith.constant 0 : i32
        %dma_wait3A_66 = tpu.memref_slice %arg4[%dma_wait3A_64, %dma_wait3A_65] : memref<256x128xf32, #tpu.memory_space<vmem>> -> memref<64x128xf32, #tpu.memory_space<vmem>>
        %dma_wait3A_67 = arith.constant 0 : i32
        %dma_wait3A_68 = arith.constant 0 : i32
        %dma_wait3A_69 = tpu.memref_slice %arg3[%dma_wait3A_67, %dma_wait3A_68] : memref<1000064x128xf32, #tpu.memory_space<hbm>> -> memref<64x128xf32, #tpu.memory_space<hbm>>
        tpu.wait_dma2 semaphore(%arg6 : memref<!tpu.dma_semaphore, #tpu.memory_space<semaphore_mem>>) src(%dma_wait3A_69 : memref<64x128xf32, #tpu.memory_space<hbm>>) dst(%dma_wait3A_66 : memref<64x128xf32, #tpu.memory_space<vmem>>)
        %lt3A_70 = arith.constant 242 : i32
        %lt3A_71 = arith.cmpi slt, %scan3A_52, %lt3A_70 : i32
        %add3A_72 = arith.constant 3 : i32
        %add3A_73 = arith.addi %add3A_53, %add3A_72 : i32
        %lt3A_74 = arith.constant 7813 : i32
        %lt3A_75 = arith.cmpi slt, %add3A_73, %lt3A_74 : i32
        %and3A = arith.andi %lt3A_71, %lt3A_75 : i1
        %convert_element_type3A_76 = arith.extui %and3A : i1 to i32
        %cond3A_77 = arith.constant 0 : i32
        %cond3A_78 = arith.cmpi ne, %convert_element_type3A_76, %cond3A_77 : i32
        scf.if %cond3A_78 {
          %add3A_102 = arith.constant 3 : i32
          %add3A_103 = arith.addi %add3A_53, %add3A_102 : i32
          %mul3A_104 = arith.constant 128 : i32
          %mul3A_105 = arith.muli %add3A_103, %mul3A_104 : i32
          %add3A_106 = arith.constant 3 : i32
          %add3A_107 = arith.addi %scan3A_52, %add3A_106 : i32
          %rem3A_108 = arith.constant 4 : i32
          %rem3A_109 = arith.remsi %add3A_107, %rem3A_108 : i32
          %mul3A_110 = arith.constant 64 : i32
          %mul3A_111 = arith.muli %rem3A_109, %mul3A_110 : i32
          %dma_start3A_112 = arith.constant 0 : i32
          %dma_start3A_113 = tpu.memref_slice %arg4[%mul3A_111, %dma_start3A_112] : memref<256x128xf32, #tpu.memory_space<vmem>> -> memref<64x128xf32, #tpu.memory_space<vmem>>
          %dma_start3A_114 = arith.constant 0 : i32
          %dma_start3A_115 = tpu.memref_slice %arg2[%dma_start3A_114, %mul3A_105] : memref<64x1000000xf32, #tpu.memory_space<hbm>> -> memref<64x128xf32, #tpu.memory_space<hbm>>
          %dma_start3A_116 = arith.constant 0 : i32
          %dma_start3A_117 = tpu.memref_slice %arg4[%mul3A_111, %dma_start3A_116] : memref<256x128xf32, #tpu.memory_space<vmem>> -> memref<64x128xf32, #tpu.memory_space<vmem>>
          %dma_start3A_118 = arith.constant 0 : i32
          %dma_start3A_119 = tpu.memref_slice %arg2[%dma_start3A_118, %mul3A_105] : memref<64x1000000xf32, #tpu.memory_space<hbm>> -> memref<64x128xf32, #tpu.memory_space<hbm>>
          tpu.enqueue_dma source(%dma_start3A_119 : memref<64x128xf32, #tpu.memory_space<hbm>>) target(%dma_start3A_117 : memref<64x128xf32, #tpu.memory_space<vmem>>) target_semaphore(%arg6 : memref<!tpu.dma_semaphore, #tpu.memory_space<semaphore_mem>>)
        } else {
        }
        %ge3A_79 = arith.constant 4 : i32
        %ge3A_80 = arith.cmpi sge, %scan3A_52, %ge3A_79 : i32
        %convert_element_type3A_81 = arith.extui %ge3A_80 : i1 to i32
        %cond3A_82 = arith.constant 0 : i32
        %cond3A_83 = arith.cmpi ne, %convert_element_type3A_81, %cond3A_82 : i32
        scf.if %cond3A_83 {
          %dma_wait3A_102 = arith.constant 0 : i32
          %dma_wait3A_103 = arith.constant 0 : i32
          %dma_wait3A_104 = tpu.memref_slice %arg5[%dma_wait3A_102, %dma_wait3A_103] : memref<512x128xf32, #tpu.memory_space<vmem>> -> memref<128x128xf32, #tpu.memory_space<vmem>>
          %dma_wait3A_105 = arith.constant 0 : i32
          %dma_wait3A_106 = arith.constant 0 : i32
          %dma_wait3A_107 = tpu.memref_slice %arg3[%dma_wait3A_105, %dma_wait3A_106] : memref<1000064x128xf32, #tpu.memory_space<hbm>> -> memref<128x128xf32, #tpu.memory_space<hbm>>
          %dma_wait3A_108 = arith.constant 0 : i32
          %dma_wait3A_109 = arith.constant 0 : i32
          %dma_wait3A_110 = tpu.memref_slice %arg5[%dma_wait3A_108, %dma_wait3A_109] : memref<512x128xf32, #tpu.memory_space<vmem>> -> memref<128x128xf32, #tpu.memory_space<vmem>>
          %dma_wait3A_111 = arith.constant 0 : i32
          %dma_wait3A_112 = arith.constant 0 : i32
          %dma_wait3A_113 = tpu.memref_slice %arg3[%dma_wait3A_111, %dma_wait3A_112] : memref<1000064x128xf32, #tpu.memory_space<hbm>> -> memref<128x128xf32, #tpu.memory_space<hbm>>
          tpu.wait_dma2 semaphore(%arg7 : memref<!tpu.dma_semaphore, #tpu.memory_space<semaphore_mem>>) src(%dma_wait3A_113 : memref<128x128xf32, #tpu.memory_space<hbm>>) dst(%dma_wait3A_110 : memref<128x128xf32, #tpu.memory_space<vmem>>)
        } else {
        }
        %rem3A = arith.constant 4 : i32
        %rem3A_84 = arith.remsi %scan3A_52, %rem3A : i32
        %mul3A_85 = arith.constant 64 : i32
        %mul3A_86 = arith.muli %rem3A_84, %mul3A_85 : i32
        %rem3A_87 = arith.constant 4 : i32
        %rem3A_88 = arith.remsi %scan3A_52, %rem3A_87 : i32
        %mul3A_89 = arith.constant 128 : i32
        %mul3A_90 = arith.muli %rem3A_88, %mul3A_89 : i32
        %parallel_loop3A = arith.constant 0 : i32
        %parallel_loop3A_91 = arith.constant 16 : i32
        %parallel_loop3A_92 = arith.constant 1 : i32
        scf.for %parallel_loop3A_102 = %parallel_loop3A to %parallel_loop3A_91 step %parallel_loop3A_92  : i32 {
          %parallel_loop3A_103 = vector.broadcast %parallel_loop3A_102 : i32 to vector<16xi32>
          %parallel_loop3A_104 = arith.addi %iota3A, %parallel_loop3A_103 : vector<16xi32>
          %parallel_loop3A_105 = arith.constant 15 : i32
          %parallel_loop3A_106 = vector.broadcast %parallel_loop3A_105 : i32 to vector<16xi32>
          %parallel_loop3A_107 = arith.andi %parallel_loop3A_104, %parallel_loop3A_106 : vector<16xi32>
          %parallel_loop3A_108 = arith.constant 0 : i32
          %parallel_loop3A_109 = vector.broadcast %parallel_loop3A_108 : i32 to vector<16xi32>
          %parallel_loop3A_110 = arith.addi %parallel_loop3A_107, %parallel_loop3A_109 : vector<16xi32>
          %parallel_loop3A_111 = vector.broadcast %mul3A_86 : i32 to vector<16xi32>
          %parallel_loop3A_112 = arith.addi %parallel_loop3A_110, %parallel_loop3A_111 : vector<16xi32>
          %parallel_loop3A_113 = arith.constant 0 : i32
          %parallel_loop3A_114 = vector.broadcast %parallel_loop3A_113 : i32 to vector<16xi32>
          %parallel_loop3A_115 = arith.addi %iota3A, %parallel_loop3A_114 : vector<16xi32>
          %parallel_loop3A_116 = tpu.vector_load_idx %arg4[%parallel_loop3A_112, %parallel_loop3A_115] : memref<256x128xf32, #tpu.memory_space<vmem>>[vector<16xi32>, vector<16xi32>], vector<16xf32>,
          %parallel_loop3A_117 = arith.constant 16 : i32
          %parallel_loop3A_118 = vector.broadcast %parallel_loop3A_117 : i32 to vector<16xi32>
          %parallel_loop3A_119 = arith.addi %iota3A, %parallel_loop3A_118 : vector<16xi32>
          %parallel_loop3A_120 = tpu.vector_load_idx %arg4[%parallel_loop3A_112, %parallel_loop3A_119] : memref<256x128xf32, #tpu.memory_space<vmem>>[vector<16xi32>, vector<16xi32>], vector<16xf32>,
          %parallel_loop3A_121 = arith.constant 32 : i32
          %parallel_loop3A_122 = vector.broadcast %parallel_loop3A_121 : i32 to vector<16xi32>
          %parallel_loop3A_123 = arith.addi %iota3A, %parallel_loop3A_122 : vector<16xi32>
          %parallel_loop3A_124 = tpu.vector_load_idx %arg4[%parallel_loop3A_112, %parallel_loop3A_123] : memref<256x128xf32, #tpu.memory_space<vmem>>[vector<16xi32>, vector<16xi32>], vector<16xf32>,
          %parallel_loop3A_125 = arith.constant 48 : i32
          %parallel_loop3A_126 = vector.broadcast %parallel_loop3A_125 : i32 to vector<16xi32>
          %parallel_loop3A_127 = arith.addi %iota3A, %parallel_loop3A_126 : vector<16xi32>
          %parallel_loop3A_128 = tpu.vector_load_idx %arg4[%parallel_loop3A_112, %parallel_loop3A_127] : memref<256x128xf32, #tpu.memory_space<vmem>>[vector<16xi32>, vector<16xi32>], vector<16xf32>,
          %parallel_loop3A_129 = arith.constant 64 : i32
          %parallel_loop3A_130 = vector.broadcast %parallel_loop3A_129 : i32 to vector<16xi32>
          %parallel_loop3A_131 = arith.addi %iota3A, %parallel_loop3A_130 : vector<16xi32>
          %parallel_loop3A_132 = tpu.vector_load_idx %arg4[%parallel_loop3A_112, %parallel_loop3A_131] : memref<256x128xf32, #tpu.memory_space<vmem>>[vector<16xi32>, vector<16xi32>], vector<16xf32>,
          %parallel_loop3A_133 = arith.constant 80 : i32
          %parallel_loop3A_134 = vector.broadcast %parallel_loop3A_133 : i32 to vector<16xi32>
          %parallel_loop3A_135 = arith.addi %iota3A, %parallel_loop3A_134 : vector<16xi32>
          %parallel_loop3A_136 = tpu.vector_load_idx %arg4[%parallel_loop3A_112, %parallel_loop3A_135] : memref<256x128xf32, #tpu.memory_space<vmem>>[vector<16xi32>, vector<16xi32>], vector<16xf32>,
          %parallel_loop3A_137 = arith.constant 96 : i32
          %parallel_loop3A_138 = vector.broadcast %parallel_loop3A_137 : i32 to vector<16xi32>
          %parallel_loop3A_139 = arith.addi %iota3A, %parallel_loop3A_138 : vector<16xi32>
          %parallel_loop3A_140 = tpu.vector_load_idx %arg4[%parallel_loop3A_112, %parallel_loop3A_139] : memref<256x128xf32, #tpu.memory_space<vmem>>[vector<16xi32>, vector<16xi32>], vector<16xf32>,
          %parallel_loop3A_141 = arith.constant 112 : i32
          %parallel_loop3A_142 = vector.broadcast %parallel_loop3A_141 : i32 to vector<16xi32>
          %parallel_loop3A_143 = arith.addi %iota3A, %parallel_loop3A_142 : vector<16xi32>
          %parallel_loop3A_144 = tpu.vector_load_idx %arg4[%parallel_loop3A_112, %parallel_loop3A_143] : memref<256x128xf32, #tpu.memory_space<vmem>>[vector<16xi32>, vector<16xi32>], vector<16xf32>,
          %parallel_loop3A_145 = arith.constant 0 : i32
          %parallel_loop3A_146 = vector.broadcast %parallel_loop3A_145 : i32 to vector<16xi32>
          %parallel_loop3A_147 = arith.addi %iota3A, %parallel_loop3A_146 : vector<16xi32>
          %parallel_loop3A_148 = vector.broadcast %mul3A_90 : i32 to vector<16xi32>
          %parallel_loop3A_149 = arith.addi %parallel_loop3A_147, %parallel_loop3A_148 : vector<16xi32>
          tpu.vector_store_idx %arg5[%parallel_loop3A_149, %parallel_loop3A_110], %parallel_loop3A_116 : memref<512x128xf32, #tpu.memory_space<vmem>>[vector<16xi32>, vector<16xi32>], vector<16xf32>,
          %parallel_loop3A_150 = arith.constant 16 : i32
          %parallel_loop3A_151 = vector.broadcast %parallel_loop3A_150 : i32 to vector<16xi32>
          %parallel_loop3A_152 = arith.addi %iota3A, %parallel_loop3A_151 : vector<16xi32>
          %parallel_loop3A_153 = vector.broadcast %mul3A_90 : i32 to vector<16xi32>
          %parallel_loop3A_154 = arith.addi %parallel_loop3A_152, %parallel_loop3A_153 : vector<16xi32>
          tpu.vector_store_idx %arg5[%parallel_loop3A_154, %parallel_loop3A_110], %parallel_loop3A_120 : memref<512x128xf32, #tpu.memory_space<vmem>>[vector<16xi32>, vector<16xi32>], vector<16xf32>,
          %parallel_loop3A_155 = arith.constant 32 : i32
          %parallel_loop3A_156 = vector.broadcast %parallel_loop3A_155 : i32 to vector<16xi32>
          %parallel_loop3A_157 = arith.addi %iota3A, %parallel_loop3A_156 : vector<16xi32>
          %parallel_loop3A_158 = vector.broadcast %mul3A_90 : i32 to vector<16xi32>
          %parallel_loop3A_159 = arith.addi %parallel_loop3A_157, %parallel_loop3A_158 : vector<16xi32>
          tpu.vector_store_idx %arg5[%parallel_loop3A_159, %parallel_loop3A_110], %parallel_loop3A_124 : memref<512x128xf32, #tpu.memory_space<vmem>>[vector<16xi32>, vector<16xi32>], vector<16xf32>,
          %parallel_loop3A_160 = arith.constant 48 : i32
          %parallel_loop3A_161 = vector.broadcast %parallel_loop3A_160 : i32 to vector<16xi32>
          %parallel_loop3A_162 = arith.addi %iota3A, %parallel_loop3A_161 : vector<16xi32>
          %parallel_loop3A_163 = vector.broadcast %mul3A_90 : i32 to vector<16xi32>
          %parallel_loop3A_164 = arith.addi %parallel_loop3A_162, %parallel_loop3A_163 : vector<16xi32>
          tpu.vector_store_idx %arg5[%parallel_loop3A_164, %parallel_loop3A_110], %parallel_loop3A_128 : memref<512x128xf32, #tpu.memory_space<vmem>>[vector<16xi32>, vector<16xi32>], vector<16xf32>,
          %parallel_loop3A_165 = arith.constant 64 : i32
          %parallel_loop3A_166 = vector.broadcast %parallel_loop3A_165 : i32 to vector<16xi32>
          %parallel_loop3A_167 = arith.addi %iota3A, %parallel_loop3A_166 : vector<16xi32>
          %parallel_loop3A_168 = vector.broadcast %mul3A_90 : i32 to vector<16xi32>
          %parallel_loop3A_169 = arith.addi %parallel_loop3A_167, %parallel_loop3A_168 : vector<16xi32>
          tpu.vector_store_idx %arg5[%parallel_loop3A_169, %parallel_loop3A_110], %parallel_loop3A_132 : memref<512x128xf32, #tpu.memory_space<vmem>>[vector<16xi32>, vector<16xi32>], vector<16xf32>,
          %parallel_loop3A_170 = arith.constant 80 : i32
          %parallel_loop3A_171 = vector.broadcast %parallel_loop3A_170 : i32 to vector<16xi32>
          %parallel_loop3A_172 = arith.addi %iota3A, %parallel_loop3A_171 : vector<16xi32>
          %parallel_loop3A_173 = vector.broadcast %mul3A_90 : i32 to vector<16xi32>
          %parallel_loop3A_174 = arith.addi %parallel_loop3A_172, %parallel_loop3A_173 : vector<16xi32>
          tpu.vector_store_idx %arg5[%parallel_loop3A_174, %parallel_loop3A_110], %parallel_loop3A_136 : memref<512x128xf32, #tpu.memory_space<vmem>>[vector<16xi32>, vector<16xi32>], vector<16xf32>,
          %parallel_loop3A_175 = arith.constant 96 : i32
          %parallel_loop3A_176 = vector.broadcast %parallel_loop3A_175 : i32 to vector<16xi32>
          %parallel_loop3A_177 = arith.addi %iota3A, %parallel_loop3A_176 : vector<16xi32>
          %parallel_loop3A_178 = vector.broadcast %mul3A_90 : i32 to vector<16xi32>
          %parallel_loop3A_179 = arith.addi %parallel_loop3A_177, %parallel_loop3A_178 : vector<16xi32>
          tpu.vector_store_idx %arg5[%parallel_loop3A_179, %parallel_loop3A_110], %parallel_loop3A_140 : memref<512x128xf32, #tpu.memory_space<vmem>>[vector<16xi32>, vector<16xi32>], vector<16xf32>,
          %parallel_loop3A_180 = arith.constant 112 : i32
          %parallel_loop3A_181 = vector.broadcast %parallel_loop3A_180 : i32 to vector<16xi32>
          %parallel_loop3A_182 = arith.addi %iota3A, %parallel_loop3A_181 : vector<16xi32>
          %parallel_loop3A_183 = vector.broadcast %mul3A_90 : i32 to vector<16xi32>
          %parallel_loop3A_184 = arith.addi %parallel_loop3A_182, %parallel_loop3A_183 : vector<16xi32>
          tpu.vector_store_idx %arg5[%parallel_loop3A_184, %parallel_loop3A_110], %parallel_loop3A_144 : memref<512x128xf32, #tpu.memory_space<vmem>>[vector<16xi32>, vector<16xi32>], vector<16xf32>,
          %parallel_loop3A_185 = arith.constant 16 : i32
          %parallel_loop3A_186 = vector.broadcast %parallel_loop3A_185 : i32 to vector<16xi32>
          %parallel_loop3A_187 = arith.addi %parallel_loop3A_107, %parallel_loop3A_186 : vector<16xi32>
          %parallel_loop3A_188 = vector.broadcast %mul3A_86 : i32 to vector<16xi32>
          %parallel_loop3A_189 = arith.addi %parallel_loop3A_187, %parallel_loop3A_188 : vector<16xi32>
          %parallel_loop3A_190 = arith.constant 0 : i32
          %parallel_loop3A_191 = vector.broadcast %parallel_loop3A_190 : i32 to vector<16xi32>
          %parallel_loop3A_192 = arith.addi %iota3A, %parallel_loop3A_191 : vector<16xi32>
          %parallel_loop3A_193 = tpu.vector_load_idx %arg4[%parallel_loop3A_189, %parallel_loop3A_192] : memref<256x128xf32, #tpu.memory_space<vmem>>[vector<16xi32>, vector<16xi32>], vector<16xf32>,
          %parallel_loop3A_194 = arith.constant 16 : i32
          %parallel_loop3A_195 = vector.broadcast %parallel_loop3A_194 : i32 to vector<16xi32>
          %parallel_loop3A_196 = arith.addi %iota3A, %parallel_loop3A_195 : vector<16xi32>
          %parallel_loop3A_197 = tpu.vector_load_idx %arg4[%parallel_loop3A_189, %parallel_loop3A_196] : memref<256x128xf32, #tpu.memory_space<vmem>>[vector<16xi32>, vector<16xi32>], vector<16xf32>,
          %parallel_loop3A_198 = arith.constant 32 : i32
          %parallel_loop3A_199 = vector.broadcast %parallel_loop3A_198 : i32 to vector<16xi32>
          %parallel_loop3A_200 = arith.addi %iota3A, %parallel_loop3A_199 : vector<16xi32>
          %parallel_loop3A_201 = tpu.vector_load_idx %arg4[%parallel_loop3A_189, %parallel_loop3A_200] : memref<256x128xf32, #tpu.memory_space<vmem>>[vector<16xi32>, vector<16xi32>], vector<16xf32>,
          %parallel_loop3A_202 = arith.constant 48 : i32
          %parallel_loop3A_203 = vector.broadcast %parallel_loop3A_202 : i32 to vector<16xi32>
          %parallel_loop3A_204 = arith.addi %iota3A, %parallel_loop3A_203 : vector<16xi32>
          %parallel_loop3A_205 = tpu.vector_load_idx %arg4[%parallel_loop3A_189, %parallel_loop3A_204] : memref<256x128xf32, #tpu.memory_space<vmem>>[vector<16xi32>, vector<16xi32>], vector<16xf32>,
          %parallel_loop3A_206 = arith.constant 64 : i32
          %parallel_loop3A_207 = vector.broadcast %parallel_loop3A_206 : i32 to vector<16xi32>
          %parallel_loop3A_208 = arith.addi %iota3A, %parallel_loop3A_207 : vector<16xi32>
          %parallel_loop3A_209 = tpu.vector_load_idx %arg4[%parallel_loop3A_189, %parallel_loop3A_208] : memref<256x128xf32, #tpu.memory_space<vmem>>[vector<16xi32>, vector<16xi32>], vector<16xf32>,
          %parallel_loop3A_210 = arith.constant 80 : i32
          %parallel_loop3A_211 = vector.broadcast %parallel_loop3A_210 : i32 to vector<16xi32>
          %parallel_loop3A_212 = arith.addi %iota3A, %parallel_loop3A_211 : vector<16xi32>
          %parallel_loop3A_213 = tpu.vector_load_idx %arg4[%parallel_loop3A_189, %parallel_loop3A_212] : memref<256x128xf32, #tpu.memory_space<vmem>>[vector<16xi32>, vector<16xi32>], vector<16xf32>,
          %parallel_loop3A_214 = arith.constant 96 : i32
          %parallel_loop3A_215 = vector.broadcast %parallel_loop3A_214 : i32 to vector<16xi32>
          %parallel_loop3A_216 = arith.addi %iota3A, %parallel_loop3A_215 : vector<16xi32>
          %parallel_loop3A_217 = tpu.vector_load_idx %arg4[%parallel_loop3A_189, %parallel_loop3A_216] : memref<256x128xf32, #tpu.memory_space<vmem>>[vector<16xi32>, vector<16xi32>], vector<16xf32>,
          %parallel_loop3A_218 = arith.constant 112 : i32
          %parallel_loop3A_219 = vector.broadcast %parallel_loop3A_218 : i32 to vector<16xi32>
          %parallel_loop3A_220 = arith.addi %iota3A, %parallel_loop3A_219 : vector<16xi32>
          %parallel_loop3A_221 = tpu.vector_load_idx %arg4[%parallel_loop3A_189, %parallel_loop3A_220] : memref<256x128xf32, #tpu.memory_space<vmem>>[vector<16xi32>, vector<16xi32>], vector<16xf32>,
          %parallel_loop3A_222 = arith.constant 0 : i32
          %parallel_loop3A_223 = vector.broadcast %parallel_loop3A_222 : i32 to vector<16xi32>
          %parallel_loop3A_224 = arith.addi %iota3A, %parallel_loop3A_223 : vector<16xi32>
          %parallel_loop3A_225 = vector.broadcast %mul3A_90 : i32 to vector<16xi32>
          %parallel_loop3A_226 = arith.addi %parallel_loop3A_224, %parallel_loop3A_225 : vector<16xi32>
          tpu.vector_store_idx %arg5[%parallel_loop3A_226, %parallel_loop3A_187], %parallel_loop3A_193 : memref<512x128xf32, #tpu.memory_space<vmem>>[vector<16xi32>, vector<16xi32>], vector<16xf32>,
          %parallel_loop3A_227 = arith.constant 16 : i32
          %parallel_loop3A_228 = vector.broadcast %parallel_loop3A_227 : i32 to vector<16xi32>
          %parallel_loop3A_229 = arith.addi %iota3A, %parallel_loop3A_228 : vector<16xi32>
          %parallel_loop3A_230 = vector.broadcast %mul3A_90 : i32 to vector<16xi32>
          %parallel_loop3A_231 = arith.addi %parallel_loop3A_229, %parallel_loop3A_230 : vector<16xi32>
          tpu.vector_store_idx %arg5[%parallel_loop3A_231, %parallel_loop3A_187], %parallel_loop3A_197 : memref<512x128xf32, #tpu.memory_space<vmem>>[vector<16xi32>, vector<16xi32>], vector<16xf32>,
          %parallel_loop3A_232 = arith.constant 32 : i32
          %parallel_loop3A_233 = vector.broadcast %parallel_loop3A_232 : i32 to vector<16xi32>
          %parallel_loop3A_234 = arith.addi %iota3A, %parallel_loop3A_233 : vector<16xi32>
          %parallel_loop3A_235 = vector.broadcast %mul3A_90 : i32 to vector<16xi32>
          %parallel_loop3A_236 = arith.addi %parallel_loop3A_234, %parallel_loop3A_235 : vector<16xi32>
          tpu.vector_store_idx %arg5[%parallel_loop3A_236, %parallel_loop3A_187], %parallel_loop3A_201 : memref<512x128xf32, #tpu.memory_space<vmem>>[vector<16xi32>, vector<16xi32>], vector<16xf32>,
          %parallel_loop3A_237 = arith.constant 48 : i32
          %parallel_loop3A_238 = vector.broadcast %parallel_loop3A_237 : i32 to vector<16xi32>
          %parallel_loop3A_239 = arith.addi %iota3A, %parallel_loop3A_238 : vector<16xi32>
          %parallel_loop3A_240 = vector.broadcast %mul3A_90 : i32 to vector<16xi32>
          %parallel_loop3A_241 = arith.addi %parallel_loop3A_239, %parallel_loop3A_240 : vector<16xi32>
          tpu.vector_store_idx %arg5[%parallel_loop3A_241, %parallel_loop3A_187], %parallel_loop3A_205 : memref<512x128xf32, #tpu.memory_space<vmem>>[vector<16xi32>, vector<16xi32>], vector<16xf32>,
          %parallel_loop3A_242 = arith.constant 64 : i32
          %parallel_loop3A_243 = vector.broadcast %parallel_loop3A_242 : i32 to vector<16xi32>
          %parallel_loop3A_244 = arith.addi %iota3A, %parallel_loop3A_243 : vector<16xi32>
          %parallel_loop3A_245 = vector.broadcast %mul3A_90 : i32 to vector<16xi32>
          %parallel_loop3A_246 = arith.addi %parallel_loop3A_244, %parallel_loop3A_245 : vector<16xi32>
          tpu.vector_store_idx %arg5[%parallel_loop3A_246, %parallel_loop3A_187], %parallel_loop3A_209 : memref<512x128xf32, #tpu.memory_space<vmem>>[vector<16xi32>, vector<16xi32>], vector<16xf32>,
          %parallel_loop3A_247 = arith.constant 80 : i32
          %parallel_loop3A_248 = vector.broadcast %parallel_loop3A_247 : i32 to vector<16xi32>
          %parallel_loop3A_249 = arith.addi %iota3A, %parallel_loop3A_248 : vector<16xi32>
          %parallel_loop3A_250 = vector.broadcast %mul3A_90 : i32 to vector<16xi32>
          %parallel_loop3A_251 = arith.addi %parallel_loop3A_249, %parallel_loop3A_250 : vector<16xi32>
          tpu.vector_store_idx %arg5[%parallel_loop3A_251, %parallel_loop3A_187], %parallel_loop3A_213 : memref<512x128xf32, #tpu.memory_space<vmem>>[vector<16xi32>, vector<16xi32>], vector<16xf32>,
          %parallel_loop3A_252 = arith.constant 96 : i32
          %parallel_loop3A_253 = vector.broadcast %parallel_loop3A_252 : i32 to vector<16xi32>
          %parallel_loop3A_254 = arith.addi %iota3A, %parallel_loop3A_253 : vector<16xi32>
          %parallel_loop3A_255 = vector.broadcast %mul3A_90 : i32 to vector<16xi32>
          %parallel_loop3A_256 = arith.addi %parallel_loop3A_254, %parallel_loop3A_255 : vector<16xi32>
          tpu.vector_store_idx %arg5[%parallel_loop3A_256, %parallel_loop3A_187], %parallel_loop3A_217 : memref<512x128xf32, #tpu.memory_space<vmem>>[vector<16xi32>, vector<16xi32>], vector<16xf32>,
          %parallel_loop3A_257 = arith.constant 112 : i32
          %parallel_loop3A_258 = vector.broadcast %parallel_loop3A_257 : i32 to vector<16xi32>
          %parallel_loop3A_259 = arith.addi %iota3A, %parallel_loop3A_258 : vector<16xi32>
          %parallel_loop3A_260 = vector.broadcast %mul3A_90 : i32 to vector<16xi32>
          %parallel_loop3A_261 = arith.addi %parallel_loop3A_259, %parallel_loop3A_260 : vector<16xi32>
          tpu.vector_store_idx %arg5[%parallel_loop3A_261, %parallel_loop3A_187], %parallel_loop3A_221 : memref<512x128xf32, #tpu.memory_space<vmem>>[vector<16xi32>, vector<16xi32>], vector<16xf32>,
        } {sc.loop_unroll_factor = 1 : i64, sc.parallel_access}
        %mul3A_93 = arith.constant 128 : i32
        %mul3A_94 = arith.muli %add3A_53, %mul3A_93 : i32
        %dma_start3A = arith.constant 0 : i32
        %dma_start3A_95 = tpu.memref_slice %arg5[%mul3A_90, %dma_start3A] : memref<512x128xf32, #tpu.memory_space<vmem>> -> memref<128x128xf32, #tpu.memory_space<vmem>>
        %dma_start3A_96 = arith.constant 0 : i32
        %dma_start3A_97 = tpu.memref_slice %arg3[%mul3A_94, %dma_start3A_96] : memref<1000064x128xf32, #tpu.memory_space<hbm>> -> memref<128x128xf32, #tpu.memory_space<hbm>>
        %dma_start3A_98 = arith.constant 0 : i32
        %dma_start3A_99 = tpu.memref_slice %arg3[%mul3A_94, %dma_start3A_98] : memref<1000064x128xf32, #tpu.memory_space<hbm>> -> memref<128x128xf32, #tpu.memory_space<hbm>>
        %dma_start3A_100 = arith.constant 0 : i32
        %dma_start3A_101 = tpu.memref_slice %arg5[%mul3A_90, %dma_start3A_100] : memref<512x128xf32, #tpu.memory_space<vmem>> -> memref<128x128xf32, #tpu.memory_space<vmem>>
        tpu.enqueue_dma source(%dma_start3A_101 : memref<128x128xf32, #tpu.memory_space<vmem>>) target(%dma_start3A_99 : memref<128x128xf32, #tpu.memory_space<hbm>>) target_semaphore(%arg7 : memref<!tpu.dma_semaphore, #tpu.memory_space<semaphore_mem>>)
      } else {
      }
    }
    %scan3A_25 = arith.constant 245 : i32
    %sub3A = arith.constant 7813 : i32
    %sub3A_26 = arith.subi %sub3A, %mul3A_2 : i32
    %ge3A = arith.constant 4 : i32
    %ge3A_27 = arith.cmpi sge, %sub3A_26, %ge3A : i32
    %convert_element_type3A_28 = arith.extui %ge3A_27 : i1 to i32
    %cond3A_29 = arith.constant 0 : i32
    %cond3A_30 = arith.cmpi ne, %convert_element_type3A_28, %cond3A_29 : i32
    scf.if %cond3A_30 {
      %dma_wait3A = arith.constant 0 : i32
      %dma_wait3A_52 = arith.constant 0 : i32
      %dma_wait3A_53 = tpu.memref_slice %arg5[%dma_wait3A, %dma_wait3A_52] : memref<512x128xf32, #tpu.memory_space<vmem>> -> memref<128x128xf32, #tpu.memory_space<vmem>>
      %dma_wait3A_54 = arith.constant 0 : i32
      %dma_wait3A_55 = arith.constant 0 : i32
      %dma_wait3A_56 = tpu.memref_slice %arg3[%dma_wait3A_54, %dma_wait3A_55] : memref<1000064x128xf32, #tpu.memory_space<hbm>> -> memref<128x128xf32, #tpu.memory_space<hbm>>
      %dma_wait3A_57 = arith.constant 0 : i32
      %dma_wait3A_58 = arith.constant 0 : i32
      %dma_wait3A_59 = tpu.memref_slice %arg5[%dma_wait3A_57, %dma_wait3A_58] : memref<512x128xf32, #tpu.memory_space<vmem>> -> memref<128x128xf32, #tpu.memory_space<vmem>>
      %dma_wait3A_60 = arith.constant 0 : i32
      %dma_wait3A_61 = arith.constant 0 : i32
      %dma_wait3A_62 = tpu.memref_slice %arg3[%dma_wait3A_60, %dma_wait3A_61] : memref<1000064x128xf32, #tpu.memory_space<hbm>> -> memref<128x128xf32, #tpu.memory_space<hbm>>
      tpu.wait_dma2 semaphore(%arg7 : memref<!tpu.dma_semaphore, #tpu.memory_space<semaphore_mem>>) src(%dma_wait3A_62 : memref<128x128xf32, #tpu.memory_space<hbm>>) dst(%dma_wait3A_59 : memref<128x128xf32, #tpu.memory_space<vmem>>)
    } else {
    }
    %sub3A_31 = arith.constant 7813 : i32
    %sub3A_32 = arith.subi %sub3A_31, %mul3A_2 : i32
    %ge3A_33 = arith.constant 3 : i32
    %ge3A_34 = arith.cmpi sge, %sub3A_32, %ge3A_33 : i32
    %convert_element_type3A_35 = arith.extui %ge3A_34 : i1 to i32
    %cond3A_36 = arith.constant 0 : i32
    %cond3A_37 = arith.cmpi ne, %convert_element_type3A_35, %cond3A_36 : i32
    scf.if %cond3A_37 {
      %dma_wait3A = arith.constant 0 : i32
      %dma_wait3A_52 = arith.constant 0 : i32
      %dma_wait3A_53 = tpu.memref_slice %arg5[%dma_wait3A, %dma_wait3A_52] : memref<512x128xf32, #tpu.memory_space<vmem>> -> memref<128x128xf32, #tpu.memory_space<vmem>>
      %dma_wait3A_54 = arith.constant 0 : i32
      %dma_wait3A_55 = arith.constant 0 : i32
      %dma_wait3A_56 = tpu.memref_slice %arg3[%dma_wait3A_54, %dma_wait3A_55] : memref<1000064x128xf32, #tpu.memory_space<hbm>> -> memref<128x128xf32, #tpu.memory_space<hbm>>
      %dma_wait3A_57 = arith.constant 0 : i32
      %dma_wait3A_58 = arith.constant 0 : i32
      %dma_wait3A_59 = tpu.memref_slice %arg5[%dma_wait3A_57, %dma_wait3A_58] : memref<512x128xf32, #tpu.memory_space<vmem>> -> memref<128x128xf32, #tpu.memory_space<vmem>>
      %dma_wait3A_60 = arith.constant 0 : i32
      %dma_wait3A_61 = arith.constant 0 : i32
      %dma_wait3A_62 = tpu.memref_slice %arg3[%dma_wait3A_60, %dma_wait3A_61] : memref<1000064x128xf32, #tpu.memory_space<hbm>> -> memref<128x128xf32, #tpu.memory_space<hbm>>
      tpu.wait_dma2 semaphore(%arg7 : memref<!tpu.dma_semaphore, #tpu.memory_space<semaphore_mem>>) src(%dma_wait3A_62 : memref<128x128xf32, #tpu.memory_space<hbm>>) dst(%dma_wait3A_59 : memref<128x128xf32, #tpu.memory_space<vmem>>)
    } else {
    }
    %sub3A_38 = arith.constant 7813 : i32
    %sub3A_39 = arith.subi %sub3A_38, %mul3A_2 : i32
    %ge3A_40 = arith.constant 2 : i32
    %ge3A_41 = arith.cmpi sge, %sub3A_39, %ge3A_40 : i32
    %convert_element_type3A_42 = arith.extui %ge3A_41 : i1 to i32
    %cond3A_43 = arith.constant 0 : i32
    %cond3A_44 = arith.cmpi ne, %convert_element_type3A_42, %cond3A_43 : i32
    scf.if %cond3A_44 {
      %dma_wait3A = arith.constant 0 : i32
      %dma_wait3A_52 = arith.constant 0 : i32
      %dma_wait3A_53 = tpu.memref_slice %arg5[%dma_wait3A, %dma_wait3A_52] : memref<512x128xf32, #tpu.memory_space<vmem>> -> memref<128x128xf32, #tpu.memory_space<vmem>>
      %dma_wait3A_54 = arith.constant 0 : i32
      %dma_wait3A_55 = arith.constant 0 : i32
      %dma_wait3A_56 = tpu.memref_slice %arg3[%dma_wait3A_54, %dma_wait3A_55] : memref<1000064x128xf32, #tpu.memory_space<hbm>> -> memref<128x128xf32, #tpu.memory_space<hbm>>
      %dma_wait3A_57 = arith.constant 0 : i32
      %dma_wait3A_58 = arith.constant 0 : i32
      %dma_wait3A_59 = tpu.memref_slice %arg5[%dma_wait3A_57, %dma_wait3A_58] : memref<512x128xf32, #tpu.memory_space<vmem>> -> memref<128x128xf32, #tpu.memory_space<vmem>>
      %dma_wait3A_60 = arith.constant 0 : i32
      %dma_wait3A_61 = arith.constant 0 : i32
      %dma_wait3A_62 = tpu.memref_slice %arg3[%dma_wait3A_60, %dma_wait3A_61] : memref<1000064x128xf32, #tpu.memory_space<hbm>> -> memref<128x128xf32, #tpu.memory_space<hbm>>
      tpu.wait_dma2 semaphore(%arg7 : memref<!tpu.dma_semaphore, #tpu.memory_space<semaphore_mem>>) src(%dma_wait3A_62 : memref<128x128xf32, #tpu.memory_space<hbm>>) dst(%dma_wait3A_59 : memref<128x128xf32, #tpu.memory_space<vmem>>)
    } else {
    }
    %sub3A_45 = arith.constant 7813 : i32
    %sub3A_46 = arith.subi %sub3A_45, %mul3A_2 : i32
    %ge3A_47 = arith.constant 1 : i32
    %ge3A_48 = arith.cmpi sge, %sub3A_46, %ge3A_47 : i32
    %convert_element_type3A_49 = arith.extui %ge3A_48 : i1 to i32
    %cond3A_50 = arith.constant 0 : i32
    %cond3A_51 = arith.cmpi ne, %convert_element_type3A_49, %cond3A_50 : i32
    scf.if %cond3A_51 {
      %dma_wait3A = arith.constant 0 : i32
      %dma_wait3A_52 = arith.constant 0 : i32
      %dma_wait3A_53 = tpu.memref_slice %arg5[%dma_wait3A, %dma_wait3A_52] : memref<512x128xf32, #tpu.memory_space<vmem>> -> memref<128x128xf32, #tpu.memory_space<vmem>>
      %dma_wait3A_54 = arith.constant 0 : i32
      %dma_wait3A_55 = arith.constant 0 : i32
      %dma_wait3A_56 = tpu.memref_slice %arg3[%dma_wait3A_54, %dma_wait3A_55] : memref<1000064x128xf32, #tpu.memory_space<hbm>> -> memref<128x128xf32, #tpu.memory_space<hbm>>
      %dma_wait3A_57 = arith.constant 0 : i32
      %dma_wait3A_58 = arith.constant 0 : i32
      %dma_wait3A_59 = tpu.memref_slice %arg5[%dma_wait3A_57, %dma_wait3A_58] : memref<512x128xf32, #tpu.memory_space<vmem>> -> memref<128x128xf32, #tpu.memory_space<vmem>>
      %dma_wait3A_60 = arith.constant 0 : i32
      %dma_wait3A_61 = arith.constant 0 : i32
      %dma_wait3A_62 = tpu.memref_slice %arg3[%dma_wait3A_60, %dma_wait3A_61] : memref<1000064x128xf32, #tpu.memory_space<hbm>> -> memref<128x128xf32, #tpu.memory_space<hbm>>
      tpu.wait_dma2 semaphore(%arg7 : memref<!tpu.dma_semaphore, #tpu.memory_space<semaphore_mem>>) src(%dma_wait3A_62 : memref<128x128xf32, #tpu.memory_space<hbm>>) dst(%dma_wait3A_59 : memref<128x128xf32, #tpu.memory_space<vmem>>)
    } else {
    }
    return
  }
}

#map = affine_map<(d0, d1) -> (0, 0)>
#map1 = affine_map<(d0, d1) -> (0, 0, 0)>
module attributes {stable_mosaic.version = 14 : i64} {
  func.func @_sc_body(%arg0: i32, %arg1: i32, %arg2: memref<200x1024xi32, #tpu.memory_space<hbm>>, %arg3: memref<1000064x128xf32, #tpu.memory_space<hbm>>, %arg4: memref<20x64xf32, #tpu.memory_space<hbm>>, %arg5: memref<1024x200x64xf32, #tpu.memory_space<hbm>>, %arg6: memref<180x32xi32, #tpu.memory_space<vmem>>, %arg7: memref<32x192xi32, #tpu.memory_space<vmem>>, %arg8: memref<4x212x128xf32, #tpu.memory_space<vmem>>, %arg9: memref<!tpu.dma_semaphore, #tpu.memory_space<semaphore_mem>>, %arg10: memref<!tpu.dma_semaphore, #tpu.memory_space<semaphore_mem>>) attributes {dimension_semantics = [#tpu.dimension_semantics<core_parallel>, #tpu.dimension_semantics<subcore_parallel>], iteration_bounds = array<i64: 2, 16>, scalar_prefetch = 0 : i64, scratch_operands = 5 : i64, tpu.core_type = #tpu.core_type<sc_vector_subcore>, window_params = [{transform_indices = #map}, {transform_indices = #map}, {transform_indices = #map}, {transform_indices = #map1}]} {
    %mul3A = arith.constant 2 : i32
    %mul3A_0 = arith.muli %arg1, %mul3A : i32
    %add3A = arith.addi %mul3A_0, %arg0 : i32
    %mul3A_1 = arith.constant 32 : i32
    %mul3A_2 = arith.muli %add3A, %mul3A_1 : i32
    "tpu.region"() ({
      %run_scoped3A_52 = tpu.sem_alloc : memref<!tpu.dma_semaphore, #tpu.memory_space<semaphore_mem>>
      %dma_start3A = arith.constant 20 : i32
      %dma_start3A_53 = tpu.memref_slice %arg2[%dma_start3A, %mul3A_2] : memref<200x1024xi32, #tpu.memory_space<hbm>> -> memref<180x32xi32, #tpu.memory_space<hbm>>
      %dma_start3A_54 = arith.constant 20 : i32
      %dma_start3A_55 = tpu.memref_slice %arg2[%dma_start3A_54, %mul3A_2] : memref<200x1024xi32, #tpu.memory_space<hbm>> -> memref<180x32xi32, #tpu.memory_space<hbm>>
      tpu.enqueue_dma source(%dma_start3A_55 : memref<180x32xi32, #tpu.memory_space<hbm>>) target(%arg6 : memref<180x32xi32, #tpu.memory_space<vmem>>) target_semaphore(%run_scoped3A_52 : memref<!tpu.dma_semaphore, #tpu.memory_space<semaphore_mem>>)
      %dma_wait3A_56 = arith.constant 20 : i32
      %dma_wait3A_57 = tpu.memref_slice %arg2[%dma_wait3A_56, %mul3A_2] : memref<200x1024xi32, #tpu.memory_space<hbm>> -> memref<180x32xi32, #tpu.memory_space<hbm>>
      %dma_wait3A_58 = arith.constant 20 : i32
      %dma_wait3A_59 = tpu.memref_slice %arg2[%dma_wait3A_58, %mul3A_2] : memref<200x1024xi32, #tpu.memory_space<hbm>> -> memref<180x32xi32, #tpu.memory_space<hbm>>
      tpu.wait_dma2 semaphore(%run_scoped3A_52 : memref<!tpu.dma_semaphore, #tpu.memory_space<semaphore_mem>>) src(%dma_wait3A_59 : memref<180x32xi32, #tpu.memory_space<hbm>>) dst(%arg6 : memref<180x32xi32, #tpu.memory_space<vmem>>)
      tpu.yield
    }) : () -> ()
    %run_scoped3A = arith.constant 0 : i32
    "tpu.region"() ({
      %run_scoped3A_52 = tpu.sem_alloc : memref<!tpu.dma_semaphore, #tpu.memory_space<semaphore_mem>>
      %dma_start3A = arith.constant 0 : i32
      %dma_start3A_53 = arith.constant 0 : i32
      %dma_start3A_54 = tpu.memref_slice %arg8[%run_scoped3A, %dma_start3A, %dma_start3A_53] : memref<4x212x128xf32, #tpu.memory_space<vmem>> -> memref<1x20x64xf32, #tpu.memory_space<vmem>>
      %dma_start3A_55 = tpu.memref_squeeze %dma_start3A_54 : memref<1x20x64xf32, #tpu.memory_space<vmem>> -> memref<20x64xf32, #tpu.memory_space<vmem>>
      %dma_start3A_56 = arith.constant 0 : i32
      %dma_start3A_57 = arith.constant 0 : i32
      %dma_start3A_58 = tpu.memref_slice %arg8[%run_scoped3A, %dma_start3A_56, %dma_start3A_57] : memref<4x212x128xf32, #tpu.memory_space<vmem>> -> memref<1x20x64xf32, #tpu.memory_space<vmem>>
      %dma_start3A_59 = tpu.memref_squeeze %dma_start3A_58 : memref<1x20x64xf32, #tpu.memory_space<vmem>> -> memref<20x64xf32, #tpu.memory_space<vmem>>
      tpu.enqueue_dma source(%arg4 : memref<20x64xf32, #tpu.memory_space<hbm>>) target(%dma_start3A_59 : memref<20x64xf32, #tpu.memory_space<vmem>>) target_semaphore(%run_scoped3A_52 : memref<!tpu.dma_semaphore, #tpu.memory_space<semaphore_mem>>)
      %dma_wait3A_60 = arith.constant 0 : i32
      %dma_wait3A_61 = arith.constant 0 : i32
      %dma_wait3A_62 = tpu.memref_slice %arg8[%run_scoped3A, %dma_wait3A_60, %dma_wait3A_61] : memref<4x212x128xf32, #tpu.memory_space<vmem>> -> memref<1x20x64xf32, #tpu.memory_space<vmem>>
      %dma_wait3A_63 = tpu.memref_squeeze %dma_wait3A_62 : memref<1x20x64xf32, #tpu.memory_space<vmem>> -> memref<20x64xf32, #tpu.memory_space<vmem>>
      %dma_wait3A_64 = arith.constant 0 : i32
      %dma_wait3A_65 = arith.constant 0 : i32
      %dma_wait3A_66 = tpu.memref_slice %arg8[%run_scoped3A, %dma_wait3A_64, %dma_wait3A_65] : memref<4x212x128xf32, #tpu.memory_space<vmem>> -> memref<1x20x64xf32, #tpu.memory_space<vmem>>
      %dma_wait3A_67 = tpu.memref_squeeze %dma_wait3A_66 : memref<1x20x64xf32, #tpu.memory_space<vmem>> -> memref<20x64xf32, #tpu.memory_space<vmem>>
      tpu.wait_dma2 semaphore(%run_scoped3A_52 : memref<!tpu.dma_semaphore, #tpu.memory_space<semaphore_mem>>) src(%arg4 : memref<20x64xf32, #tpu.memory_space<hbm>>) dst(%dma_wait3A_67 : memref<20x64xf32, #tpu.memory_space<vmem>>)
      tpu.yield
    }) : () -> ()
    %run_scoped3A_3 = arith.constant 1 : i32
    "tpu.region"() ({
      %run_scoped3A_52 = tpu.sem_alloc : memref<!tpu.dma_semaphore, #tpu.memory_space<semaphore_mem>>
      %dma_start3A = arith.constant 0 : i32
      %dma_start3A_53 = arith.constant 0 : i32
      %dma_start3A_54 = tpu.memref_slice %arg8[%run_scoped3A_3, %dma_start3A, %dma_start3A_53] : memref<4x212x128xf32, #tpu.memory_space<vmem>> -> memref<1x20x64xf32, #tpu.memory_space<vmem>>
      %dma_start3A_55 = tpu.memref_squeeze %dma_start3A_54 : memref<1x20x64xf32, #tpu.memory_space<vmem>> -> memref<20x64xf32, #tpu.memory_space<vmem>>
      %dma_start3A_56 = arith.constant 0 : i32
      %dma_start3A_57 = arith.constant 0 : i32
      %dma_start3A_58 = tpu.memref_slice %arg8[%run_scoped3A_3, %dma_start3A_56, %dma_start3A_57] : memref<4x212x128xf32, #tpu.memory_space<vmem>> -> memref<1x20x64xf32, #tpu.memory_space<vmem>>
      %dma_start3A_59 = tpu.memref_squeeze %dma_start3A_58 : memref<1x20x64xf32, #tpu.memory_space<vmem>> -> memref<20x64xf32, #tpu.memory_space<vmem>>
      tpu.enqueue_dma source(%arg4 : memref<20x64xf32, #tpu.memory_space<hbm>>) target(%dma_start3A_59 : memref<20x64xf32, #tpu.memory_space<vmem>>) target_semaphore(%run_scoped3A_52 : memref<!tpu.dma_semaphore, #tpu.memory_space<semaphore_mem>>)
      %dma_wait3A_60 = arith.constant 0 : i32
      %dma_wait3A_61 = arith.constant 0 : i32
      %dma_wait3A_62 = tpu.memref_slice %arg8[%run_scoped3A_3, %dma_wait3A_60, %dma_wait3A_61] : memref<4x212x128xf32, #tpu.memory_space<vmem>> -> memref<1x20x64xf32, #tpu.memory_space<vmem>>
      %dma_wait3A_63 = tpu.memref_squeeze %dma_wait3A_62 : memref<1x20x64xf32, #tpu.memory_space<vmem>> -> memref<20x64xf32, #tpu.memory_space<vmem>>
      %dma_wait3A_64 = arith.constant 0 : i32
      %dma_wait3A_65 = arith.constant 0 : i32
      %dma_wait3A_66 = tpu.memref_slice %arg8[%run_scoped3A_3, %dma_wait3A_64, %dma_wait3A_65] : memref<4x212x128xf32, #tpu.memory_space<vmem>> -> memref<1x20x64xf32, #tpu.memory_space<vmem>>
      %dma_wait3A_67 = tpu.memref_squeeze %dma_wait3A_66 : memref<1x20x64xf32, #tpu.memory_space<vmem>> -> memref<20x64xf32, #tpu.memory_space<vmem>>
      tpu.wait_dma2 semaphore(%run_scoped3A_52 : memref<!tpu.dma_semaphore, #tpu.memory_space<semaphore_mem>>) src(%arg4 : memref<20x64xf32, #tpu.memory_space<hbm>>) dst(%dma_wait3A_67 : memref<20x64xf32, #tpu.memory_space<vmem>>)
      tpu.yield
    }) : () -> ()
    %run_scoped3A_4 = arith.constant 2 : i32
    "tpu.region"() ({
      %run_scoped3A_52 = tpu.sem_alloc : memref<!tpu.dma_semaphore, #tpu.memory_space<semaphore_mem>>
      %dma_start3A = arith.constant 0 : i32
      %dma_start3A_53 = arith.constant 0 : i32
      %dma_start3A_54 = tpu.memref_slice %arg8[%run_scoped3A_4, %dma_start3A, %dma_start3A_53] : memref<4x212x128xf32, #tpu.memory_space<vmem>> -> memref<1x20x64xf32, #tpu.memory_space<vmem>>
      %dma_start3A_55 = tpu.memref_squeeze %dma_start3A_54 : memref<1x20x64xf32, #tpu.memory_space<vmem>> -> memref<20x64xf32, #tpu.memory_space<vmem>>
      %dma_start3A_56 = arith.constant 0 : i32
      %dma_start3A_57 = arith.constant 0 : i32
      %dma_start3A_58 = tpu.memref_slice %arg8[%run_scoped3A_4, %dma_start3A_56, %dma_start3A_57] : memref<4x212x128xf32, #tpu.memory_space<vmem>> -> memref<1x20x64xf32, #tpu.memory_space<vmem>>
      %dma_start3A_59 = tpu.memref_squeeze %dma_start3A_58 : memref<1x20x64xf32, #tpu.memory_space<vmem>> -> memref<20x64xf32, #tpu.memory_space<vmem>>
      tpu.enqueue_dma source(%arg4 : memref<20x64xf32, #tpu.memory_space<hbm>>) target(%dma_start3A_59 : memref<20x64xf32, #tpu.memory_space<vmem>>) target_semaphore(%run_scoped3A_52 : memref<!tpu.dma_semaphore, #tpu.memory_space<semaphore_mem>>)
      %dma_wait3A_60 = arith.constant 0 : i32
      %dma_wait3A_61 = arith.constant 0 : i32
      %dma_wait3A_62 = tpu.memref_slice %arg8[%run_scoped3A_4, %dma_wait3A_60, %dma_wait3A_61] : memref<4x212x128xf32, #tpu.memory_space<vmem>> -> memref<1x20x64xf32, #tpu.memory_space<vmem>>
      %dma_wait3A_63 = tpu.memref_squeeze %dma_wait3A_62 : memref<1x20x64xf32, #tpu.memory_space<vmem>> -> memref<20x64xf32, #tpu.memory_space<vmem>>
      %dma_wait3A_64 = arith.constant 0 : i32
      %dma_wait3A_65 = arith.constant 0 : i32
      %dma_wait3A_66 = tpu.memref_slice %arg8[%run_scoped3A_4, %dma_wait3A_64, %dma_wait3A_65] : memref<4x212x128xf32, #tpu.memory_space<vmem>> -> memref<1x20x64xf32, #tpu.memory_space<vmem>>
      %dma_wait3A_67 = tpu.memref_squeeze %dma_wait3A_66 : memref<1x20x64xf32, #tpu.memory_space<vmem>> -> memref<20x64xf32, #tpu.memory_space<vmem>>
      tpu.wait_dma2 semaphore(%run_scoped3A_52 : memref<!tpu.dma_semaphore, #tpu.memory_space<semaphore_mem>>) src(%arg4 : memref<20x64xf32, #tpu.memory_space<hbm>>) dst(%dma_wait3A_67 : memref<20x64xf32, #tpu.memory_space<vmem>>)
      tpu.yield
    }) : () -> ()
    %run_scoped3A_5 = arith.constant 3 : i32
    "tpu.region"() ({
      %run_scoped3A_52 = tpu.sem_alloc : memref<!tpu.dma_semaphore, #tpu.memory_space<semaphore_mem>>
      %dma_start3A = arith.constant 0 : i32
      %dma_start3A_53 = arith.constant 0 : i32
      %dma_start3A_54 = tpu.memref_slice %arg8[%run_scoped3A_5, %dma_start3A, %dma_start3A_53] : memref<4x212x128xf32, #tpu.memory_space<vmem>> -> memref<1x20x64xf32, #tpu.memory_space<vmem>>
      %dma_start3A_55 = tpu.memref_squeeze %dma_start3A_54 : memref<1x20x64xf32, #tpu.memory_space<vmem>> -> memref<20x64xf32, #tpu.memory_space<vmem>>
      %dma_start3A_56 = arith.constant 0 : i32
      %dma_start3A_57 = arith.constant 0 : i32
      %dma_start3A_58 = tpu.memref_slice %arg8[%run_scoped3A_5, %dma_start3A_56, %dma_start3A_57] : memref<4x212x128xf32, #tpu.memory_space<vmem>> -> memref<1x20x64xf32, #tpu.memory_space<vmem>>
      %dma_start3A_59 = tpu.memref_squeeze %dma_start3A_58 : memref<1x20x64xf32, #tpu.memory_space<vmem>> -> memref<20x64xf32, #tpu.memory_space<vmem>>
      tpu.enqueue_dma source(%arg4 : memref<20x64xf32, #tpu.memory_space<hbm>>) target(%dma_start3A_59 : memref<20x64xf32, #tpu.memory_space<vmem>>) target_semaphore(%run_scoped3A_52 : memref<!tpu.dma_semaphore, #tpu.memory_space<semaphore_mem>>)
      %dma_wait3A_60 = arith.constant 0 : i32
      %dma_wait3A_61 = arith.constant 0 : i32
      %dma_wait3A_62 = tpu.memref_slice %arg8[%run_scoped3A_5, %dma_wait3A_60, %dma_wait3A_61] : memref<4x212x128xf32, #tpu.memory_space<vmem>> -> memref<1x20x64xf32, #tpu.memory_space<vmem>>
      %dma_wait3A_63 = tpu.memref_squeeze %dma_wait3A_62 : memref<1x20x64xf32, #tpu.memory_space<vmem>> -> memref<20x64xf32, #tpu.memory_space<vmem>>
      %dma_wait3A_64 = arith.constant 0 : i32
      %dma_wait3A_65 = arith.constant 0 : i32
      %dma_wait3A_66 = tpu.memref_slice %arg8[%run_scoped3A_5, %dma_wait3A_64, %dma_wait3A_65] : memref<4x212x128xf32, #tpu.memory_space<vmem>> -> memref<1x20x64xf32, #tpu.memory_space<vmem>>
      %dma_wait3A_67 = tpu.memref_squeeze %dma_wait3A_66 : memref<1x20x64xf32, #tpu.memory_space<vmem>> -> memref<20x64xf32, #tpu.memory_space<vmem>>
      tpu.wait_dma2 semaphore(%run_scoped3A_52 : memref<!tpu.dma_semaphore, #tpu.memory_space<semaphore_mem>>) src(%arg4 : memref<20x64xf32, #tpu.memory_space<hbm>>) dst(%dma_wait3A_67 : memref<20x64xf32, #tpu.memory_space<vmem>>)
      tpu.yield
    }) : () -> ()
    %iota3A = tpu.iota {dimensions = array<i32: 0>} : vector<16xi32>
    %scan3A = arith.constant 0 : i32
    %scan3A_6 = arith.constant 0 : i32
    %scan3A_7 = arith.constant 32 : i32
    %scan3A_8 = arith.addi %scan3A_6, %scan3A_7 : i32
    %scan3A_9 = arith.constant 1 : i32
    scf.for %scan3A_52 = %scan3A_6 to %scan3A_8 step %scan3A_9  : i32 {
      %broadcast_in_dim3A = vector.broadcast %scan3A_52 : i32 to vector<16xi32>
      %add3A_53 = arith.constant 0 : i32
      %add3A_54 = vector.broadcast %add3A_53 : i32 to vector<16xi32>
      %add3A_55 = arith.addi %add3A_54, %iota3A : vector<16xi32>
      %min3A = arith.constant 179 : i32
      %min3A_56 = vector.broadcast %min3A : i32 to vector<16xi32>
      %min3A_57 = arith.minsi %add3A_55, %min3A_56 : vector<16xi32>
      %gather3A = tpu.vector_load_idx %arg6[%min3A_57, %broadcast_in_dim3A] : memref<180x32xi32, #tpu.memory_space<vmem>>[vector<16xi32>, vector<16xi32>], vector<16xi32>,
      %swap3A = arith.index_cast %scan3A_52 : i32 to index
      %swap3A_58 = arith.constant 0 : index
      %swap3A_59 = tpu.vector_load %arg7[%swap3A, %swap3A_58] {strides = array<i32>} : memref<32x192xi32, #tpu.memory_space<vmem>>, vector<16xi32>,
      tpu.vector_store %arg7[%swap3A, %swap3A_58], %gather3A {strides = array<i32>} : memref<32x192xi32, #tpu.memory_space<vmem>>, vector<16xi32>,
      %add3A_60 = arith.constant 16 : i32
      %add3A_61 = vector.broadcast %add3A_60 : i32 to vector<16xi32>
      %add3A_62 = arith.addi %add3A_61, %iota3A : vector<16xi32>
      %min3A_63 = arith.constant 179 : i32
      %min3A_64 = vector.broadcast %min3A_63 : i32 to vector<16xi32>
      %min3A_65 = arith.minsi %add3A_62, %min3A_64 : vector<16xi32>
      %gather3A_66 = tpu.vector_load_idx %arg6[%min3A_65, %broadcast_in_dim3A] : memref<180x32xi32, #tpu.memory_space<vmem>>[vector<16xi32>, vector<16xi32>], vector<16xi32>,
      %swap3A_67 = arith.index_cast %scan3A_52 : i32 to index
      %swap3A_68 = arith.constant 16 : index
      %swap3A_69 = tpu.vector_load %arg7[%swap3A_67, %swap3A_68] {strides = array<i32>} : memref<32x192xi32, #tpu.memory_space<vmem>>, vector<16xi32>,
      tpu.vector_store %arg7[%swap3A_67, %swap3A_68], %gather3A_66 {strides = array<i32>} : memref<32x192xi32, #tpu.memory_space<vmem>>, vector<16xi32>,
      %add3A_70 = arith.constant 32 : i32
      %add3A_71 = vector.broadcast %add3A_70 : i32 to vector<16xi32>
      %add3A_72 = arith.addi %add3A_71, %iota3A : vector<16xi32>
      %min3A_73 = arith.constant 179 : i32
      %min3A_74 = vector.broadcast %min3A_73 : i32 to vector<16xi32>
      %min3A_75 = arith.minsi %add3A_72, %min3A_74 : vector<16xi32>
      %gather3A_76 = tpu.vector_load_idx %arg6[%min3A_75, %broadcast_in_dim3A] : memref<180x32xi32, #tpu.memory_space<vmem>>[vector<16xi32>, vector<16xi32>], vector<16xi32>,
      %swap3A_77 = arith.index_cast %scan3A_52 : i32 to index
      %swap3A_78 = arith.constant 32 : index
      %swap3A_79 = tpu.vector_load %arg7[%swap3A_77, %swap3A_78] {strides = array<i32>} : memref<32x192xi32, #tpu.memory_space<vmem>>, vector<16xi32>,
      tpu.vector_store %arg7[%swap3A_77, %swap3A_78], %gather3A_76 {strides = array<i32>} : memref<32x192xi32, #tpu.memory_space<vmem>>, vector<16xi32>,
      %add3A_80 = arith.constant 48 : i32
      %add3A_81 = vector.broadcast %add3A_80 : i32 to vector<16xi32>
      %add3A_82 = arith.addi %add3A_81, %iota3A : vector<16xi32>
      %min3A_83 = arith.constant 179 : i32
      %min3A_84 = vector.broadcast %min3A_83 : i32 to vector<16xi32>
      %min3A_85 = arith.minsi %add3A_82, %min3A_84 : vector<16xi32>
      %gather3A_86 = tpu.vector_load_idx %arg6[%min3A_85, %broadcast_in_dim3A] : memref<180x32xi32, #tpu.memory_space<vmem>>[vector<16xi32>, vector<16xi32>], vector<16xi32>,
      %swap3A_87 = arith.index_cast %scan3A_52 : i32 to index
      %swap3A_88 = arith.constant 48 : index
      %swap3A_89 = tpu.vector_load %arg7[%swap3A_87, %swap3A_88] {strides = array<i32>} : memref<32x192xi32, #tpu.memory_space<vmem>>, vector<16xi32>,
      tpu.vector_store %arg7[%swap3A_87, %swap3A_88], %gather3A_86 {strides = array<i32>} : memref<32x192xi32, #tpu.memory_space<vmem>>, vector<16xi32>,
      %add3A_90 = arith.constant 64 : i32
      %add3A_91 = vector.broadcast %add3A_90 : i32 to vector<16xi32>
      %add3A_92 = arith.addi %add3A_91, %iota3A : vector<16xi32>
      %min3A_93 = arith.constant 179 : i32
      %min3A_94 = vector.broadcast %min3A_93 : i32 to vector<16xi32>
      %min3A_95 = arith.minsi %add3A_92, %min3A_94 : vector<16xi32>
      %gather3A_96 = tpu.vector_load_idx %arg6[%min3A_95, %broadcast_in_dim3A] : memref<180x32xi32, #tpu.memory_space<vmem>>[vector<16xi32>, vector<16xi32>], vector<16xi32>,
      %swap3A_97 = arith.index_cast %scan3A_52 : i32 to index
      %swap3A_98 = arith.constant 64 : index
      %swap3A_99 = tpu.vector_load %arg7[%swap3A_97, %swap3A_98] {strides = array<i32>} : memref<32x192xi32, #tpu.memory_space<vmem>>, vector<16xi32>,
      tpu.vector_store %arg7[%swap3A_97, %swap3A_98], %gather3A_96 {strides = array<i32>} : memref<32x192xi32, #tpu.memory_space<vmem>>, vector<16xi32>,
      %add3A_100 = arith.constant 80 : i32
      %add3A_101 = vector.broadcast %add3A_100 : i32 to vector<16xi32>
      %add3A_102 = arith.addi %add3A_101, %iota3A : vector<16xi32>
      %min3A_103 = arith.constant 179 : i32
      %min3A_104 = vector.broadcast %min3A_103 : i32 to vector<16xi32>
      %min3A_105 = arith.minsi %add3A_102, %min3A_104 : vector<16xi32>
      %gather3A_106 = tpu.vector_load_idx %arg6[%min3A_105, %broadcast_in_dim3A] : memref<180x32xi32, #tpu.memory_space<vmem>>[vector<16xi32>, vector<16xi32>], vector<16xi32>,
      %swap3A_107 = arith.index_cast %scan3A_52 : i32 to index
      %swap3A_108 = arith.constant 80 : index
      %swap3A_109 = tpu.vector_load %arg7[%swap3A_107, %swap3A_108] {strides = array<i32>} : memref<32x192xi32, #tpu.memory_space<vmem>>, vector<16xi32>,
      tpu.vector_store %arg7[%swap3A_107, %swap3A_108], %gather3A_106 {strides = array<i32>} : memref<32x192xi32, #tpu.memory_space<vmem>>, vector<16xi32>,
      %add3A_110 = arith.constant 96 : i32
      %add3A_111 = vector.broadcast %add3A_110 : i32 to vector<16xi32>
      %add3A_112 = arith.addi %add3A_111, %iota3A : vector<16xi32>
      %min3A_113 = arith.constant 179 : i32
      %min3A_114 = vector.broadcast %min3A_113 : i32 to vector<16xi32>
      %min3A_115 = arith.minsi %add3A_112, %min3A_114 : vector<16xi32>
      %gather3A_116 = tpu.vector_load_idx %arg6[%min3A_115, %broadcast_in_dim3A] : memref<180x32xi32, #tpu.memory_space<vmem>>[vector<16xi32>, vector<16xi32>], vector<16xi32>,
      %swap3A_117 = arith.index_cast %scan3A_52 : i32 to index
      %swap3A_118 = arith.constant 96 : index
      %swap3A_119 = tpu.vector_load %arg7[%swap3A_117, %swap3A_118] {strides = array<i32>} : memref<32x192xi32, #tpu.memory_space<vmem>>, vector<16xi32>,
      tpu.vector_store %arg7[%swap3A_117, %swap3A_118], %gather3A_116 {strides = array<i32>} : memref<32x192xi32, #tpu.memory_space<vmem>>, vector<16xi32>,
      %add3A_120 = arith.constant 112 : i32
      %add3A_121 = vector.broadcast %add3A_120 : i32 to vector<16xi32>
      %add3A_122 = arith.addi %add3A_121, %iota3A : vector<16xi32>
      %min3A_123 = arith.constant 179 : i32
      %min3A_124 = vector.broadcast %min3A_123 : i32 to vector<16xi32>
      %min3A_125 = arith.minsi %add3A_122, %min3A_124 : vector<16xi32>
      %gather3A_126 = tpu.vector_load_idx %arg6[%min3A_125, %broadcast_in_dim3A] : memref<180x32xi32, #tpu.memory_space<vmem>>[vector<16xi32>, vector<16xi32>], vector<16xi32>,
      %swap3A_127 = arith.index_cast %scan3A_52 : i32 to index
      %swap3A_128 = arith.constant 112 : index
      %swap3A_129 = tpu.vector_load %arg7[%swap3A_127, %swap3A_128] {strides = array<i32>} : memref<32x192xi32, #tpu.memory_space<vmem>>, vector<16xi32>,
      tpu.vector_store %arg7[%swap3A_127, %swap3A_128], %gather3A_126 {strides = array<i32>} : memref<32x192xi32, #tpu.memory_space<vmem>>, vector<16xi32>,
      %add3A_130 = arith.constant 128 : i32
      %add3A_131 = vector.broadcast %add3A_130 : i32 to vector<16xi32>
      %add3A_132 = arith.addi %add3A_131, %iota3A : vector<16xi32>
      %min3A_133 = arith.constant 179 : i32
      %min3A_134 = vector.broadcast %min3A_133 : i32 to vector<16xi32>
      %min3A_135 = arith.minsi %add3A_132, %min3A_134 : vector<16xi32>
      %gather3A_136 = tpu.vector_load_idx %arg6[%min3A_135, %broadcast_in_dim3A] : memref<180x32xi32, #tpu.memory_space<vmem>>[vector<16xi32>, vector<16xi32>], vector<16xi32>,
      %swap3A_137 = arith.index_cast %scan3A_52 : i32 to index
      %swap3A_138 = arith.constant 128 : index
      %swap3A_139 = tpu.vector_load %arg7[%swap3A_137, %swap3A_138] {strides = array<i32>} : memref<32x192xi32, #tpu.memory_space<vmem>>, vector<16xi32>,
      tpu.vector_store %arg7[%swap3A_137, %swap3A_138], %gather3A_136 {strides = array<i32>} : memref<32x192xi32, #tpu.memory_space<vmem>>, vector<16xi32>,
      %add3A_140 = arith.constant 144 : i32
      %add3A_141 = vector.broadcast %add3A_140 : i32 to vector<16xi32>
      %add3A_142 = arith.addi %add3A_141, %iota3A : vector<16xi32>
      %min3A_143 = arith.constant 179 : i32
      %min3A_144 = vector.broadcast %min3A_143 : i32 to vector<16xi32>
      %min3A_145 = arith.minsi %add3A_142, %min3A_144 : vector<16xi32>
      %gather3A_146 = tpu.vector_load_idx %arg6[%min3A_145, %broadcast_in_dim3A] : memref<180x32xi32, #tpu.memory_space<vmem>>[vector<16xi32>, vector<16xi32>], vector<16xi32>,
      %swap3A_147 = arith.index_cast %scan3A_52 : i32 to index
      %swap3A_148 = arith.constant 144 : index
      %swap3A_149 = tpu.vector_load %arg7[%swap3A_147, %swap3A_148] {strides = array<i32>} : memref<32x192xi32, #tpu.memory_space<vmem>>, vector<16xi32>,
      tpu.vector_store %arg7[%swap3A_147, %swap3A_148], %gather3A_146 {strides = array<i32>} : memref<32x192xi32, #tpu.memory_space<vmem>>, vector<16xi32>,
      %add3A_150 = arith.constant 160 : i32
      %add3A_151 = vector.broadcast %add3A_150 : i32 to vector<16xi32>
      %add3A_152 = arith.addi %add3A_151, %iota3A : vector<16xi32>
      %min3A_153 = arith.constant 179 : i32
      %min3A_154 = vector.broadcast %min3A_153 : i32 to vector<16xi32>
      %min3A_155 = arith.minsi %add3A_152, %min3A_154 : vector<16xi32>
      %gather3A_156 = tpu.vector_load_idx %arg6[%min3A_155, %broadcast_in_dim3A] : memref<180x32xi32, #tpu.memory_space<vmem>>[vector<16xi32>, vector<16xi32>], vector<16xi32>,
      %swap3A_157 = arith.index_cast %scan3A_52 : i32 to index
      %swap3A_158 = arith.constant 160 : index
      %swap3A_159 = tpu.vector_load %arg7[%swap3A_157, %swap3A_158] {strides = array<i32>} : memref<32x192xi32, #tpu.memory_space<vmem>>, vector<16xi32>,
      tpu.vector_store %arg7[%swap3A_157, %swap3A_158], %gather3A_156 {strides = array<i32>} : memref<32x192xi32, #tpu.memory_space<vmem>>, vector<16xi32>,
      %add3A_160 = arith.constant 176 : i32
      %add3A_161 = vector.broadcast %add3A_160 : i32 to vector<16xi32>
      %add3A_162 = arith.addi %add3A_161, %iota3A : vector<16xi32>
      %min3A_163 = arith.constant 179 : i32
      %min3A_164 = vector.broadcast %min3A_163 : i32 to vector<16xi32>
      %min3A_165 = arith.minsi %add3A_162, %min3A_164 : vector<16xi32>
      %gather3A_166 = tpu.vector_load_idx %arg6[%min3A_165, %broadcast_in_dim3A] : memref<180x32xi32, #tpu.memory_space<vmem>>[vector<16xi32>, vector<16xi32>], vector<16xi32>,
      %swap3A_167 = arith.index_cast %scan3A_52 : i32 to index
      %swap3A_168 = arith.constant 176 : index
      %swap3A_169 = tpu.vector_load %arg7[%swap3A_167, %swap3A_168] {strides = array<i32>} : memref<32x192xi32, #tpu.memory_space<vmem>>, vector<16xi32>,
      tpu.vector_store %arg7[%swap3A_167, %swap3A_168], %gather3A_166 {strides = array<i32>} : memref<32x192xi32, #tpu.memory_space<vmem>>, vector<16xi32>,
    }
    %scan3A_10 = arith.constant 32 : i32
    %scan3A_11 = arith.constant 0 : i32
    %scan3A_12 = arith.constant 0 : i32
    %scan3A_13 = arith.constant 34 : i32
    %scan3A_14 = arith.addi %scan3A_12, %scan3A_13 : i32
    %scan3A_15 = arith.constant 1 : i32
    scf.for %scan3A_52 = %scan3A_12 to %scan3A_14 step %scan3A_15  : i32 {
      %rem3A = arith.constant 4 : i32
      %rem3A_53 = arith.remsi %scan3A_52, %rem3A : i32
      %ge3A = arith.constant 4 : i32
      %ge3A_54 = arith.cmpi sge, %scan3A_52, %ge3A : i32
      %convert_element_type3A = arith.extui %ge3A_54 : i1 to i32
      %cond3A = arith.constant 0 : i32
      %cond3A_55 = arith.cmpi ne, %convert_element_type3A, %cond3A : i32
      scf.if %cond3A_55 {
        %dma_wait3A_65 = arith.constant 0 : i32
        %dma_wait3A_66 = arith.constant 0 : i32
        %dma_wait3A_67 = arith.constant 0 : i32
        %dma_wait3A_68 = arith.constant 0 : i32
        %dma_wait3A_69 = tpu.memref_slice %arg8[%dma_wait3A_66, %dma_wait3A_67, %dma_wait3A_68] : memref<4x212x128xf32, #tpu.memory_space<vmem>> -> memref<1x200x64xf32, #tpu.memory_space<vmem>>
        %dma_wait3A_70 = tpu.memref_squeeze %dma_wait3A_69 : memref<1x200x64xf32, #tpu.memory_space<vmem>> -> memref<200x64xf32, #tpu.memory_space<vmem>>
        %dma_wait3A_71 = arith.constant 0 : i32
        %dma_wait3A_72 = arith.constant 0 : i32
        %dma_wait3A_73 = tpu.memref_slice %arg5[%dma_wait3A_65, %dma_wait3A_71, %dma_wait3A_72] : memref<1024x200x64xf32, #tpu.memory_space<hbm>> -> memref<1x200x64xf32, #tpu.memory_space<hbm>>
        %dma_wait3A_74 = tpu.memref_squeeze %dma_wait3A_73 : memref<1x200x64xf32, #tpu.memory_space<hbm>> -> memref<200x64xf32, #tpu.memory_space<hbm>>
        %dma_wait3A_75 = arith.constant 0 : i32
        %dma_wait3A_76 = arith.constant 0 : i32
        %dma_wait3A_77 = tpu.memref_slice %arg8[%dma_wait3A_66, %dma_wait3A_75, %dma_wait3A_76] : memref<4x212x128xf32, #tpu.memory_space<vmem>> -> memref<1x200x64xf32, #tpu.memory_space<vmem>>
        %dma_wait3A_78 = tpu.memref_squeeze %dma_wait3A_77 : memref<1x200x64xf32, #tpu.memory_space<vmem>> -> memref<200x64xf32, #tpu.memory_space<vmem>>
        %dma_wait3A_79 = arith.constant 0 : i32
        %dma_wait3A_80 = arith.constant 0 : i32
        %dma_wait3A_81 = tpu.memref_slice %arg5[%dma_wait3A_65, %dma_wait3A_79, %dma_wait3A_80] : memref<1024x200x64xf32, #tpu.memory_space<hbm>> -> memref<1x200x64xf32, #tpu.memory_space<hbm>>
        %dma_wait3A_82 = tpu.memref_squeeze %dma_wait3A_81 : memref<1x200x64xf32, #tpu.memory_space<hbm>> -> memref<200x64xf32, #tpu.memory_space<hbm>>
        tpu.wait_dma2 semaphore(%arg10 : memref<!tpu.dma_semaphore, #tpu.memory_space<semaphore_mem>>) src(%dma_wait3A_82 : memref<200x64xf32, #tpu.memory_space<hbm>>) dst(%dma_wait3A_78 : memref<200x64xf32, #tpu.memory_space<vmem>>)
      } else {
      }
      %lt3A = arith.constant 32 : i32
      %lt3A_56 = arith.cmpi slt, %scan3A_52, %lt3A : i32
      %convert_element_type3A_57 = arith.extui %lt3A_56 : i1 to i32
      %cond3A_58 = arith.constant 0 : i32
      %cond3A_59 = arith.cmpi ne, %convert_element_type3A_57, %cond3A_58 : i32
      scf.if %cond3A_59 {
        %dma_start3A = arith.constant 20 : i32
        %dma_start3A_65 = arith.constant 0 : i32
        %dma_start3A_66 = tpu.memref_slice %arg8[%rem3A_53, %dma_start3A, %dma_start3A_65] : memref<4x212x128xf32, #tpu.memory_space<vmem>> -> memref<1x96x128xf32, #tpu.memory_space<vmem>>
        %dma_start3A_67 = tpu.memref_squeeze %dma_start3A_66 : memref<1x96x128xf32, #tpu.memory_space<vmem>> -> memref<96x128xf32, #tpu.memory_space<vmem>>
        %dma_start3A_68 = arith.constant 0 : i32
        %dma_start3A_69 = tpu.memref_slice %arg7[%scan3A_52, %dma_start3A_68] : memref<32x192xi32, #tpu.memory_space<vmem>> -> memref<1x96xi32, #tpu.memory_space<vmem>>
        %dma_start3A_70 = tpu.memref_squeeze %dma_start3A_69 : memref<1x96xi32, #tpu.memory_space<vmem>> -> memref<96xi32, #tpu.memory_space<vmem>>
        %dma_start3A_71 = arith.constant 0 : i32
        %dma_start3A_72 = arith.constant 0 : i32
        %dma_start3A_73 = tpu.memref_slice %arg3[%dma_start3A_71, %dma_start3A_72] : memref<1000064x128xf32, #tpu.memory_space<hbm>> -> memref<1000064x128xf32, #tpu.memory_space<hbm>>
        tpu.enqueue_indirect_dma source(%dma_start3A_73 : memref<1000064x128xf32, #tpu.memory_space<hbm>>) target(%dma_start3A_67 : memref<96x128xf32, #tpu.memory_space<vmem>>) offsets(%dma_start3A_70 : memref<96xi32, #tpu.memory_space<vmem>>) semaphore(%arg9 : memref<!tpu.dma_semaphore, #tpu.memory_space<semaphore_mem>>)
        %dma_start3A_74 = arith.constant 116 : i32
        %dma_start3A_75 = arith.constant 0 : i32
        %dma_start3A_76 = tpu.memref_slice %arg8[%rem3A_53, %dma_start3A_74, %dma_start3A_75] : memref<4x212x128xf32, #tpu.memory_space<vmem>> -> memref<1x96x128xf32, #tpu.memory_space<vmem>>
        %dma_start3A_77 = tpu.memref_squeeze %dma_start3A_76 : memref<1x96x128xf32, #tpu.memory_space<vmem>> -> memref<96x128xf32, #tpu.memory_space<vmem>>
        %dma_start3A_78 = arith.constant 96 : i32
        %dma_start3A_79 = tpu.memref_slice %arg7[%scan3A_52, %dma_start3A_78] : memref<32x192xi32, #tpu.memory_space<vmem>> -> memref<1x96xi32, #tpu.memory_space<vmem>>
        %dma_start3A_80 = tpu.memref_squeeze %dma_start3A_79 : memref<1x96xi32, #tpu.memory_space<vmem>> -> memref<96xi32, #tpu.memory_space<vmem>>
        %dma_start3A_81 = arith.constant 0 : i32
        %dma_start3A_82 = arith.constant 0 : i32
        %dma_start3A_83 = tpu.memref_slice %arg3[%dma_start3A_81, %dma_start3A_82] : memref<1000064x128xf32, #tpu.memory_space<hbm>> -> memref<1000064x128xf32, #tpu.memory_space<hbm>>
        tpu.enqueue_indirect_dma source(%dma_start3A_83 : memref<1000064x128xf32, #tpu.memory_space<hbm>>) target(%dma_start3A_77 : memref<96x128xf32, #tpu.memory_space<vmem>>) offsets(%dma_start3A_80 : memref<96xi32, #tpu.memory_space<vmem>>) semaphore(%arg9 : memref<!tpu.dma_semaphore, #tpu.memory_space<semaphore_mem>>)
      } else {
      }
      %ge3A_60 = arith.constant 2 : i32
      %ge3A_61 = arith.cmpi sge, %scan3A_52, %ge3A_60 : i32
      %convert_element_type3A_62 = arith.extui %ge3A_61 : i1 to i32
      %cond3A_63 = arith.constant 0 : i32
      %cond3A_64 = arith.cmpi ne, %convert_element_type3A_62, %cond3A_63 : i32
      scf.if %cond3A_64 {
        %sub3A = arith.constant 2 : i32
        %sub3A_65 = arith.subi %scan3A_52, %sub3A : i32
        %rem3A_66 = arith.constant 4 : i32
        %rem3A_67 = arith.remsi %sub3A_65, %rem3A_66 : i32
        %dma_wait3A_68 = arith.constant 0 : i32
        %dma_wait3A_69 = arith.constant 20 : i32
        %dma_wait3A_70 = arith.constant 0 : i32
        %dma_wait3A_71 = tpu.memref_slice %arg8[%dma_wait3A_68, %dma_wait3A_69, %dma_wait3A_70] : memref<4x212x128xf32, #tpu.memory_space<vmem>> -> memref<1x96x128xf32, #tpu.memory_space<vmem>>
        %dma_wait3A_72 = tpu.memref_squeeze %dma_wait3A_71 : memref<1x96x128xf32, #tpu.memory_space<vmem>> -> memref<96x128xf32, #tpu.memory_space<vmem>>
        %dma_wait3A_73 = arith.constant 0 : i32
        %dma_wait3A_74 = arith.constant 0 : i32
        %dma_wait3A_75 = tpu.memref_slice %arg3[%dma_wait3A_73, %dma_wait3A_74] : memref<1000064x128xf32, #tpu.memory_space<hbm>> -> memref<96x128xf32, #tpu.memory_space<hbm>>
        %dma_wait3A_76 = arith.constant 20 : i32
        %dma_wait3A_77 = arith.constant 0 : i32
        %dma_wait3A_78 = tpu.memref_slice %arg8[%dma_wait3A_68, %dma_wait3A_76, %dma_wait3A_77] : memref<4x212x128xf32, #tpu.memory_space<vmem>> -> memref<1x96x128xf32, #tpu.memory_space<vmem>>
        %dma_wait3A_79 = tpu.memref_squeeze %dma_wait3A_78 : memref<1x96x128xf32, #tpu.memory_space<vmem>> -> memref<96x128xf32, #tpu.memory_space<vmem>>
        %dma_wait3A_80 = arith.constant 0 : i32
        %dma_wait3A_81 = arith.constant 0 : i32
        %dma_wait3A_82 = tpu.memref_slice %arg3[%dma_wait3A_80, %dma_wait3A_81] : memref<1000064x128xf32, #tpu.memory_space<hbm>> -> memref<96x128xf32, #tpu.memory_space<hbm>>
        tpu.wait_dma2 semaphore(%arg9 : memref<!tpu.dma_semaphore, #tpu.memory_space<semaphore_mem>>) src(%dma_wait3A_82 : memref<96x128xf32, #tpu.memory_space<hbm>>) dst(%dma_wait3A_79 : memref<96x128xf32, #tpu.memory_space<vmem>>)
        %dma_wait3A_83 = arith.constant 0 : i32
        %dma_wait3A_84 = arith.constant 20 : i32
        %dma_wait3A_85 = arith.constant 0 : i32
        %dma_wait3A_86 = tpu.memref_slice %arg8[%dma_wait3A_83, %dma_wait3A_84, %dma_wait3A_85] : memref<4x212x128xf32, #tpu.memory_space<vmem>> -> memref<1x96x128xf32, #tpu.memory_space<vmem>>
        %dma_wait3A_87 = tpu.memref_squeeze %dma_wait3A_86 : memref<1x96x128xf32, #tpu.memory_space<vmem>> -> memref<96x128xf32, #tpu.memory_space<vmem>>
        %dma_wait3A_88 = arith.constant 0 : i32
        %dma_wait3A_89 = arith.constant 0 : i32
        %dma_wait3A_90 = tpu.memref_slice %arg3[%dma_wait3A_88, %dma_wait3A_89] : memref<1000064x128xf32, #tpu.memory_space<hbm>> -> memref<96x128xf32, #tpu.memory_space<hbm>>
        %dma_wait3A_91 = arith.constant 20 : i32
        %dma_wait3A_92 = arith.constant 0 : i32
        %dma_wait3A_93 = tpu.memref_slice %arg8[%dma_wait3A_83, %dma_wait3A_91, %dma_wait3A_92] : memref<4x212x128xf32, #tpu.memory_space<vmem>> -> memref<1x96x128xf32, #tpu.memory_space<vmem>>
        %dma_wait3A_94 = tpu.memref_squeeze %dma_wait3A_93 : memref<1x96x128xf32, #tpu.memory_space<vmem>> -> memref<96x128xf32, #tpu.memory_space<vmem>>
        %dma_wait3A_95 = arith.constant 0 : i32
        %dma_wait3A_96 = arith.constant 0 : i32
        %dma_wait3A_97 = tpu.memref_slice %arg3[%dma_wait3A_95, %dma_wait3A_96] : memref<1000064x128xf32, #tpu.memory_space<hbm>> -> memref<96x128xf32, #tpu.memory_space<hbm>>
        tpu.wait_dma2 semaphore(%arg9 : memref<!tpu.dma_semaphore, #tpu.memory_space<semaphore_mem>>) src(%dma_wait3A_97 : memref<96x128xf32, #tpu.memory_space<hbm>>) dst(%dma_wait3A_94 : memref<96x128xf32, #tpu.memory_space<vmem>>)
        %mul3A_98 = arith.constant 32 : i32
        %mul3A_99 = arith.muli %add3A, %mul3A_98 : i32
        %add3A_100 = arith.addi %mul3A_99, %sub3A_65 : i32
        %dma_start3A = arith.constant 0 : i32
        %dma_start3A_101 = arith.constant 0 : i32
        %dma_start3A_102 = tpu.memref_slice %arg8[%rem3A_67, %dma_start3A, %dma_start3A_101] : memref<4x212x128xf32, #tpu.memory_space<vmem>> -> memref<1x200x64xf32, #tpu.memory_space<vmem>>
        %dma_start3A_103 = tpu.memref_squeeze %dma_start3A_102 : memref<1x200x64xf32, #tpu.memory_space<vmem>> -> memref<200x64xf32, #tpu.memory_space<vmem>>
        %dma_start3A_104 = arith.constant 0 : i32
        %dma_start3A_105 = arith.constant 0 : i32
        %dma_start3A_106 = tpu.memref_slice %arg5[%add3A_100, %dma_start3A_104, %dma_start3A_105] : memref<1024x200x64xf32, #tpu.memory_space<hbm>> -> memref<1x200x64xf32, #tpu.memory_space<hbm>>
        %dma_start3A_107 = tpu.memref_squeeze %dma_start3A_106 : memref<1x200x64xf32, #tpu.memory_space<hbm>> -> memref<200x64xf32, #tpu.memory_space<hbm>>
        %dma_start3A_108 = arith.constant 0 : i32
        %dma_start3A_109 = arith.constant 0 : i32
        %dma_start3A_110 = tpu.memref_slice %arg5[%add3A_100, %dma_start3A_108, %dma_start3A_109] : memref<1024x200x64xf32, #tpu.memory_space<hbm>> -> memref<1x200x64xf32, #tpu.memory_space<hbm>>
        %dma_start3A_111 = tpu.memref_squeeze %dma_start3A_110 : memref<1x200x64xf32, #tpu.memory_space<hbm>> -> memref<200x64xf32, #tpu.memory_space<hbm>>
        %dma_start3A_112 = arith.constant 0 : i32
        %dma_start3A_113 = arith.constant 0 : i32
        %dma_start3A_114 = tpu.memref_slice %arg8[%rem3A_67, %dma_start3A_112, %dma_start3A_113] : memref<4x212x128xf32, #tpu.memory_space<vmem>> -> memref<1x200x64xf32, #tpu.memory_space<vmem>>
        %dma_start3A_115 = tpu.memref_squeeze %dma_start3A_114 : memref<1x200x64xf32, #tpu.memory_space<vmem>> -> memref<200x64xf32, #tpu.memory_space<vmem>>
        tpu.enqueue_dma source(%dma_start3A_115 : memref<200x64xf32, #tpu.memory_space<vmem>>) target(%dma_start3A_111 : memref<200x64xf32, #tpu.memory_space<hbm>>) target_semaphore(%arg10 : memref<!tpu.dma_semaphore, #tpu.memory_space<semaphore_mem>>)
      } else {
      }
    }
    %scan3A_16 = arith.constant 34 : i32
    %dma_wait3A = arith.constant 0 : i32
    %dma_wait3A_17 = arith.constant 0 : i32
    %dma_wait3A_18 = arith.constant 0 : i32
    %dma_wait3A_19 = arith.constant 0 : i32
    %dma_wait3A_20 = tpu.memref_slice %arg8[%dma_wait3A_17, %dma_wait3A_18, %dma_wait3A_19] : memref<4x212x128xf32, #tpu.memory_space<vmem>> -> memref<1x200x64xf32, #tpu.memory_space<vmem>>
    %dma_wait3A_21 = tpu.memref_squeeze %dma_wait3A_20 : memref<1x200x64xf32, #tpu.memory_space<vmem>> -> memref<200x64xf32, #tpu.memory_space<vmem>>
    %dma_wait3A_22 = arith.constant 0 : i32
    %dma_wait3A_23 = arith.constant 0 : i32
    %dma_wait3A_24 = tpu.memref_slice %arg5[%dma_wait3A, %dma_wait3A_22, %dma_wait3A_23] : memref<1024x200x64xf32, #tpu.memory_space<hbm>> -> memref<1x200x64xf32, #tpu.memory_space<hbm>>
    %dma_wait3A_25 = tpu.memref_squeeze %dma_wait3A_24 : memref<1x200x64xf32, #tpu.memory_space<hbm>> -> memref<200x64xf32, #tpu.memory_space<hbm>>
    %dma_wait3A_26 = arith.constant 0 : i32
    %dma_wait3A_27 = arith.constant 0 : i32
    %dma_wait3A_28 = tpu.memref_slice %arg8[%dma_wait3A_17, %dma_wait3A_26, %dma_wait3A_27] : memref<4x212x128xf32, #tpu.memory_space<vmem>> -> memref<1x200x64xf32, #tpu.memory_space<vmem>>
    %dma_wait3A_29 = tpu.memref_squeeze %dma_wait3A_28 : memref<1x200x64xf32, #tpu.memory_space<vmem>> -> memref<200x64xf32, #tpu.memory_space<vmem>>
    %dma_wait3A_30 = arith.constant 0 : i32
    %dma_wait3A_31 = arith.constant 0 : i32
    %dma_wait3A_32 = tpu.memref_slice %arg5[%dma_wait3A, %dma_wait3A_30, %dma_wait3A_31] : memref<1024x200x64xf32, #tpu.memory_space<hbm>> -> memref<1x200x64xf32, #tpu.memory_space<hbm>>
    %dma_wait3A_33 = tpu.memref_squeeze %dma_wait3A_32 : memref<1x200x64xf32, #tpu.memory_space<hbm>> -> memref<200x64xf32, #tpu.memory_space<hbm>>
    tpu.wait_dma2 semaphore(%arg10 : memref<!tpu.dma_semaphore, #tpu.memory_space<semaphore_mem>>) src(%dma_wait3A_33 : memref<200x64xf32, #tpu.memory_space<hbm>>) dst(%dma_wait3A_29 : memref<200x64xf32, #tpu.memory_space<vmem>>)
    %dma_wait3A_34 = arith.constant 0 : i32
    %dma_wait3A_35 = arith.constant 0 : i32
    %dma_wait3A_36 = arith.constant 0 : i32
    %dma_wait3A_37 = arith.constant 0 : i32
    %dma_wait3A_38 = tpu.memref_slice %arg8[%dma_wait3A_35, %dma_wait3A_36, %dma_wait3A_37] : memref<4x212x128xf32, #tpu.memory_space<vmem>> -> memref<1x200x64xf32, #tpu.memory_space<vmem>>
    %dma_wait3A_39 = tpu.memref_squeeze %dma_wait3A_38 : memref<1x200x64xf32, #tpu.memory_space<vmem>> -> memref<200x64xf32, #tpu.memory_space<vmem>>
    %dma_wait3A_40 = arith.constant 0 : i32
    %dma_wait3A_41 = arith.constant 0 : i32
    %dma_wait3A_42 = tpu.memref_slice %arg5[%dma_wait3A_34, %dma_wait3A_40, %dma_wait3A_41] : memref<1024x200x64xf32, #tpu.memory_space<hbm>> -> memref<1x200x64xf32, #tpu.memory_space<hbm>>
    %dma_wait3A_43 = tpu.memref_squeeze %dma_wait3A_42 : memref<1x200x64xf32, #tpu.memory_space<hbm>> -> memref<200x64xf32, #tpu.memory_space<hbm>>
    %dma_wait3A_44 = arith.constant 0 : i32
    %dma_wait3A_45 = arith.constant 0 : i32
    %dma_wait3A_46 = tpu.memref_slice %arg8[%dma_wait3A_35, %dma_wait3A_44, %dma_wait3A_45] : memref<4x212x128xf32, #tpu.memory_space<vmem>> -> memref<1x200x64xf32, #tpu.memory_space<vmem>>
    %dma_wait3A_47 = tpu.memref_squeeze %dma_wait3A_46 : memref<1x200x64xf32, #tpu.memory_space<vmem>> -> memref<200x64xf32, #tpu.memory_space<vmem>>
    %dma_wait3A_48 = arith.constant 0 : i32
    %dma_wait3A_49 = arith.constant 0 : i32
    %dma_wait3A_50 = tpu.memref_slice %arg5[%dma_wait3A_34, %dma_wait3A_48, %dma_wait3A_49] : memref<1024x200x64xf32, #tpu.memory_space<hbm>> -> memref<1x200x64xf32, #tpu.memory_space<hbm>>
    %dma_wait3A_51 = tpu.memref_squeeze %dma_wait3A_50 : memref<1x200x64xf32, #tpu.memory_space<hbm>> -> memref<200x64xf32, #tpu.memory_space<hbm>>
    tpu.wait_dma2 semaphore(%arg10 : memref<!tpu.dma_semaphore, #tpu.memory_space<semaphore_mem>>) src(%dma_wait3A_51 : memref<200x64xf32, #tpu.memory_space<hbm>>) dst(%dma_wait3A_47 : memref<200x64xf32, #tpu.memory_space<vmem>>)
    return
  }
}

</mosaic_0001>

<sc_bundles>
// kernel: _gather.4.cloned.1.call-start
scs
__scs_entry_jumppad:
0x0: {  	(pc) =	sbr.rel $0x88, $3  }
0x1: {  	(tag) =	ssettag $0x0;
	lr =	simm.s32 $0x1  }
0x2: {  	[smem:$0x3F9E] =	sst lr;
	_ =	strace $0xD0000000  }
0x3: {  	_ = 	snop  }
0x4: {  	_ = 	snop  }
0x5: {  	_ = 	snop  }
0x6: {  	_ = 	snop  }
0x7: {  	_ = 	snop  }
__scs_overlays_trampoline_lowered:
0x8: {  	[smem:$0x3FAD] =	sst s0  }
0x9: {  	[smem:$0x3FAE] =	sst s1  }
0xa: {  	[smem:$0x3FAF] =	sst s2  }
0xb: {  	[smem:$0x3FB0] =	sst s3  }
0xc: {  	[smem:$0x3FB1] =	sst s4  }
0xd: {  	[smem:$0x3FB2] =	sst s5  }
0xe: {  	[smem:$0x3FB3] =	sst s6  }
0xf: {  	[smem:$0x3FB4] =	sst s7  }
0x10: {  	[smem:$0x3FB5] =	sst s8  }
0x11: {  	[smem:$0x3FB6] =	sst s9;
	s0 =	simm.s32 @!p0 $0x0  }
0x12: {  	s1 =	sld [smem:$0x3F9C];
	s0 =	simm.s32 @p0 $0x1  }
0x13: {  	[smem:$0x3FB7] =	sst s0;
	s0 =	simm.s32 @!p1 $0x0  }
0x14: {  	s2 =	sld [smem:$0x3F9B];
	s0 =	simm.s32 @p1 $0x1  }
0x15: {  	[smem:$0x3FB8] =	sst s0;
	s0 =	simm.s32 @!p2 $0x0  }
0x16: {  	s3 =	sld [smem:$0x3FDB];
	s0 =	simm.s32 @p2 $0x1  }
0x17: {  	s4 =	simm.s32 $0x1BF5;
	[smem:$0x3FBA] =	sst s0  }
0x18: {  	s0 =	sld [smem:$0x3F9D];
	_ =	swait.ge [sflag:s4], $0x0  }
0x19: {  	s7 =	sld [smem:$0x3F9E]  }
0x1a: {  	s8 =	sadd.s32 $0xFFFFE003, lr  }
0x1b: {  	s9 =	sadd.s32 $0xFFFFFEF7, lr;
	s5 =	simm.s32 $0xFFFFFFFF;
	p2 =	slt.u32 s8, $0xFFFFF086  }
0x1c: {  	p1 =	slt.u32 s9, $0xF7A;
	s5 =	simm.s32 @!p2 $0x0  }
0x1d: {  	s5 =	simm.s32 @p1 $0x1;
	p0 =	seq.s32 s7, s2  }
0x1e: {  	s7 =	smul.u32 @!p0 $0xF7A, s2;
	p2 =	seq.s32 @!p0 s5, $0x0  }
0x1f: {  	s9 =	smul.u32 $0xF7A, s1;
	s8 =	simm.s32 @!p0 $0x1BF5;
	p2 =	por !p2, p0  }
0x20: {  	[sflag:s8] =	ssyncset.s32 @!p0 $0xFFFFF086;
	s6 =	sadd.s32 @!p0 s3, s7;
	s7 =	simm.s32 @!p0 $0x108  }
0x21: {  	s3 =	sadd.s32 s3, s9;
	s6 =	sadd.s32 @!p0 $0x88, s6;
	s7 =	simm.s32 @p2 $0x1082  }
0x22: {  	[simem:s7], [sflag:s8] =	dma.local @!p0 [hbm:s6], $0xF7A  }
0x23: {  	s9 =	sor.u32 $0xD0000000, s2;
	s6 =	simm.s32 $0x108;
	_ =	swait.ge @!p0 [sflag:s8], $0x0  }
0x24: {  	s3 =	sadd.s32 $0x88, s3;
	s6 =	simm.s32 @!p1 $0x1082;
	[sflag:s4] =	ssyncset.s32 $0xFFFFF086  }
0x25: {  	[simem:s6], [sflag:s4] =	dma.local [hbm:s3], $0xF7A  }
0x26: {  	[smem:$0x3F9E] =	sst s1;
	(tag) =	ssettag s2;
	_ =	strace s9  }
0x27: {  	s1 =	sld [smem:$0x3FAE]  }
0x28: {  	s2 =	sld [smem:$0x3FAF]  }
0x29: {  	s4 =	sld [smem:$0x3FB1]  }
0x2a: {  	p0 =	seq.s32 s5, $0x0;
	s5 =	sld [smem:$0x3FB2]  }
0x2b: {  	s6 =	sld [smem:$0x3FB3]  }
0x2c: {  	s7 =	sld [smem:$0x3FB4]  }
0x2d: {  	s3 =	simm.s32 $0x108;
	s8 =	sld [smem:$0x3FB5]  }
0x2e: {  	s3 =	simm.s32 @!p0 $0x1082;
	s9 =	sld [smem:$0x3FB6]  }
0x2f: {  	lr =	sadd.s32 s0, s3;
	s0 =	sld [smem:$0x3FAD]  }
0x30: {  	s3 =	sld [smem:$0x3FB0]  }
0x31: {  	[smem:$0x3FB9] =	sst s10  }
0x32: {  	s10 =	sld [smem:$0x3FB7];
	_ =	sdelay $0x3  }
0x33: {  	p0 =	seq.s32 s10, $0x1;
	s10 =	sld [smem:$0x3FB9];
	_ =	sdelay $0x3  }
0x34: {  	[smem:$0x3FB9] =	sst s10  }
0x35: {  	s10 =	sld [smem:$0x3FB8];
	_ =	sdelay $0x3  }
0x36: {  	p1 =	seq.s32 s10, $0x1;
	s10 =	sld [smem:$0x3FB9];
	_ =	sdelay $0x3  }
0x37: {  	[smem:$0x3FB9] =	sst s10  }
0x38: {  	s10 =	sld [smem:$0x3FBA]  }
0x39: {  	_ = 	snop;
	(pc) =	sbr.ind lr, $3  }
0x3a: {  	_ = 	snop  }
0x3b: {  	_ = 	snop  }
0x3c: {  	p2 =	seq.s32 s10, $0x1;
	s10 =	sld [smem:$0x3FB9]  }
0x3d: {  	_ =	shalt  }
0x3e: {  	_ =	shalt  }
0x3f: {  	_ =	shalt  }
0x40: {  	_ =	shalt  }
0x41: {  	_ =	shalt  }
0x42: {  	_ =	shalt  }
0x43: {  	_ =	shalt  }
0x44: {  	_ =	shalt  }
0x45: {  	_ =	shalt  }
0x46: {  	_ =	shalt  }
0x47: {  	_ =	shalt  }
0x48: {  	_ =	shalt  }
0x49: {  	_ =	shalt  }
0x4a: {  	_ =	shalt  }
0x4b: {  	_ =	shalt  }
0x4c: {  	_ =	shalt  }
0x4d: {  	_ =	shalt  }
0x4e: {  	_ =	shalt  }
0x4f: {  	_ =	shalt  }
0x50: {  	_ =	shalt  }
0x51: {  	_ =	shalt  }
0x52: {  	_ =	shalt  }
0x53: {  	_ =	shalt  }
0x54: {  	_ =	shalt  }
0x55: {  	_ =	shalt  }
0x56: {  	_ =	shalt  }
0x57: {  	_ =	shalt  }
0x58: {  	_ =	shalt  }
0x59: {  	_ =	shalt  }
0x5a: {  	_ =	shalt  }
0x5b: {  	_ =	shalt  }
0x5c: {  	_ =	shalt  }
0x5d: {  	_ =	shalt  }
0x5e: {  	_ =	shalt  }
0x5f: {  	_ =	shalt  }
0x60: {  	_ =	shalt  }
0x61: {  	_ =	shalt  }
0x62: {  	_ =	shalt  }
0x63: {  	_ =	shalt  }
0x64: {  	_ =	shalt  }
0x65: {  	_ =	shalt  }
0x66: {  	_ =	shalt  }
0x67: {  	_ =	shalt  }
0x68: {  	_ =	shalt  }
0x69: {  	_ =	shalt  }
0x6a: {  	_ =	shalt  }
0x6b: {  	_ =	shalt  }
0x6c: {  	_ =	shalt  }
0x6d: {  	_ =	shalt  }
0x6e: {  	_ =	shalt  }
0x6f: {  	_ =	shalt  }
0x70: {  	_ =	shalt  }
0x71: {  	_ =	shalt  }
0x72: {  	_ =	shalt  }
0x73: {  	_ =	shalt  }
0x74: {  	_ =	shalt  }
0x75: {  	_ =	shalt  }
0x76: {  	_ =	shalt  }
0x77: {  	_ =	shalt  }
0x78: {  	_ =	shalt  }
0x79: {  	_ =	shalt  }
0x7a: {  	_ =	shalt  }
0x7b: {  	_ =	shalt  }
0x7c: {  	_ =	shalt  }
0x7d: {  	_ =	shalt  }
0x7e: {  	_ =	shalt  }
0x7f: {  	_ =	shalt  }
0x80: {  	_ =	shalt  }
0x81: {  	_ =	shalt  }
0x82: {  	_ =	shalt  }
0x83: {  	_ =	shalt  }
0x84: {  	_ =	shalt  }
0x85: {  	_ =	shalt  }
0x86: {  	_ =	shalt  }
0x87: {  	_ =	shalt  }
.Lfunc_end0:
.L_simem_size_0:
called_computation.1_lowered:
.L_overlay_start_0:
0x88: {  	s2 =	sld [smem:$0x3FD9]  }
0x89: {  	s3 =	sld [smem:$0x3FFE];
	_ =	sdelay $0x1  }
0x8a: {  	s1 =	srdreg.scid  }
0x8b: {  	s0 =	sand.u32 $0x1, s1  }
0x8c: {  	s17 =	sshll.u32 s0, $0xA;
	s2 =	sadd.s32 s3, s2  }
0x8d: {  	s2 =	sadd.s32 s2, s17  }
0x8e: {  	[smem:$0x3FC5] =	sst s2  }
0x8f: {  	_ = 	snop  }
0x90: {  	s2 =	sld [smem:$0x3FC8];
	(tm) =	ssettm $0x1  }
0x91: {  	s18 =	sld [smem:$0x3FFB];
	_ =	sdelay $0x3  }
0x92: {  	_ =	strace s18  }
0x93: {  	s3 =	sld [smem:$0x3FFC];
	_ =	sdelay $0x3  }
0x94: {  	_ =	strace s3  }
0x95: {  	s3 =	sld [smem:$0x3FFD];
	_ =	sdelay $0x3  }
0x96: {  	_ =	strace s3  }
0x97: {  	_ =	strace $0x8FFFFFFF  }
0x98: {  	s19 =	sld [smem:$0x3FDB];
	_ =	sdelay $0x1  }
0x99: {  	s4 =	simm.s32 $_scs_section_size  }
0x9a: {  	s5 =	simm.s32 $_size__tile_overlayer_lowered;
	s6 =	simm.s32 $_tile_overlayer_lowered  }
0x9b: {  	s22 =	simm.s32 $0x1BFF;
	s21 =	sshll.u32 s6, $0x1;
	s3 =	sadd.s32 s4, s19  }
0x9c: {  	s7 =	simm.s32 $0x0;
	s20 =	sshll.u32 s5, $0x1;
	s5 =	sadd.s32 s21, s3  }
0x9d: {  	[timem:s7], [sflag:s22] =	dma.local [hbm:s5], s20  }
0x9e: {  	_ =	swait.ge [sflag:s22], s20  }
0x9f: {  	s4 =	ssub.s32 $0x0, s20;
	[sflag:s22] =	ssyncset.done $0x0  }
0xa0: {  	[sflag:s22] =	ssyncadd.s32 s4;
	_ =	sdelay $0x1  }
0xa1: {  	s23 =	simm.s32 $0x1B8B  }
0xa2: {  	_ =	swait.ge [sflag:s23], $0x1  }
0xa3: {  	[sflag:s23] =	ssyncset.done $0x0  }
0xa4: {  	s25 =	simm.s32 $0x1B8E;
	s24 =	sld [smem:$0x3FFE];
	[sflag:s23] =	ssyncadd.s32 $0xFFFFFFFF  }
0xa5: {  	s26 =	simm.s32 $execute0_lowered;
	[smem:$0x3FD2] =	sst s25  }
0xa6: {  	s5 =	sshll.u32 s26, $0x1;
	_ =	strace $0x80000046;
	[dreg:$0x1] =	wrdreg $0xFFFFFFFF  }
0xa7: {  	s28 =	simm.s32 $_size_execute0_lowered;
	s3 =	sadd.s32 s3, s5;
	[dreg:$0x0] =	wrdreg $0x0  }
0xa8: {  	s5 =	sshll.u32 s28, $0x1;
	[dreg:$0x2] =	wrdreg s3  }
0xa9: {  	[dreg:$0x3] =	wrdreg s5  }
0xaa: {  	[dreg:$0x4] =	wrdreg $0xC0  }
0xab: {  	_ =	task [dreg:s7], $0x5FFFF  }
0xac: {  	[dreg:$0x1] =	wrdreg $0xFFFFFFFF  }
0xad: {  	[dreg:$0x0] =	wrdreg $0x60  }
0xae: {  	[dreg:$0x2] =	wrdreg s2  }
0xaf: {  	[dreg:$0x3] =	wrdreg s24  }
0xb0: {  	[dreg:$0x4] =	wrdreg $0x9  }
0xb1: {  	_ =	task.clear_ibuf [dreg:s7], $0x5FFFF;
	_ =	strace $0x90000046  }
0xb2: {  	s29 =	simm.s32 $0x9;
	_ =	strace $0x80000048  }
0xb3: {  	_ =	swait.ge [sflag:s29], $0x1  }
0xb4: {  	[sflag:s29] =	ssyncadd.s32 $0xFFFFFFFF  }
0xb5: {  	_ =	strace $0x90000048  }
0xb6: {  	_ =	sfence  }
0xb7: {  	s30 =	sld [smem:$0x0];
	_ =	sdelay $0x2  }
0xb8: {  	s31 =	sshll.u32 s1, $0xD;
	s1 =	sshrl.u32 s1, $0x2  }
0xb9: {  	s3 =	sand.u32 $0x4000, s31;
	s1 =	sadd.s32 s1, s30  }
0xba: {  	s0 =	sor.u32 s3, s0;
	s1 =	sshll.u32 s1, $0x11  }
0xbb: {  	s0 =	sor.u32 s1, s0  }
0xbc: {  	s0 =	sadd.s32 $0x8F2B, s0  }
0xbd: {  	[sflag:s0] =	ssyncadd.remote.s32 $0x1  }
0xbe: {  	_ =	sfence.sel $0xFFFF  }
0xbf: {  	[dreg:$0x0] =	wrdreg $0xFFFFFFFF;
	(pc) =	sbr.abs _section_cstart, $3  }
0xc0: {  	[dreg:$0x1] =	wrdreg $0xFFFFFFFF  }
0xc1: {  	_ =	task.clear_ibuf [dreg:s7], $0x2FFFF;
	_ =	strace $0x9FFFFFFF  }
0xc2: {  	(tm) =	ssettm $0x7FFFFFFF  }
0xc3: {  	_ =	shalt  }
tec
execute0_lowered:
.L_overlay_start_1:
0x0: {  	(tag) =	ssettag $0x1  }
0x1: {  	s8 =	rddreg [dreg:$0x0];
	s1 =	srdreg.scid  }
0x2: {  	s0 =	stileid.u32;
	s3 =	rddreg [dreg:$0x1]  }
0x3: {  	s2 =	simm.s32 $0x0;
	s10 =	simm.s32 $0x400;
	s11 =	simm.s32 $0x7A1400  }
0x4: {  	s12 =	simm.s32 $0x2000;
	s13 =	simm.s32 $0x4000;
	s14 =	simm.s32 $0x1  }
0x5: {  	s15 =	simm.s32 $0x8000;
	s16 =	simm.s32 $0x2;
	s17 =	simm.s32 $0x0  }
0x6: {  	v0 =	vlaneseq.u32;
	s4 =	sand.u32 $0x1, s1;
	s5 =	sshll.u32 s0, $0x1;
	s1 =	rddreg [dreg:$0x2]  }
.Ltmp0:
0x7: {  	v1 =	vmul.u32 $0x80, v0;
	v9 =	vor.u32 $0x10, v0;
	v10 =	vor.u32 $0x20, v0;
	s5 =	sor.u32 s4, s5;
	s4 =	ssub.s32 $0x2, s4;
	(pc) =	sbr.rel .LBB2_1-.Ltmp0, $4  }
0x8: {  	[smem:$0x7FF] =	sst s2;
	v11 =	vor.u32 $0x30, v0;
	v12 =	vor.u32 $0x40, v0;
	v13 =	vor.u32 $0x50, v0;
	s6 =	smul.u32 $0x7A80, s5;
	s7 =	sshrl.u32 s4, $0x1  }
0x9: {  	s3 =	sadd.s32 $0x1000, s3;
	v14 =	vor.u32 $0x60, v0;
	v15 =	vor.u32 $0x70, v0;
	_ =	strace $0x80000047;
	v2 =	vor.u32 $0x3800, v1;
	s9 =	ssub.s32 s4, s7  }
0xa: {  	v3 =	vor.u32 $0x3000, v1;
	v4 =	vor.u32 $0x2800, v1;
	v5 =	vor.u32 $0x2000, v1;
	s4 =	smul.u32 $0xF5, s5;
	s5 =	sadd.s32 s8, s6;
	s8 =	sadd.s32 $0x180, s8  }
0xb: {  	v6 =	vor.u32 $0x1800, v1;
	v7 =	vor.u32 $0x1000, v1;
	v8 =	vor.u32 $0x800, v1;
	[tilespmem:$0x1FFF0] =	vst v2;
	s9 =	smax.u32 s9, $0x1;
	s6 =	sadd.s32 $0x80, s5;
	s7 =	sadd.s32 $0x100, s5  }
.LBB2_7:
0xc: {  	_ =	swait.ge [sflag:s16], $0x4000  }
0xd: {  	[sflag:s16] =	ssyncset.done $0x0  }
0xe: {  	[sflag:s16] =	ssyncadd.s32 $0xFFFFC000  }
0xf: {  	_ =	swait.ge [sflag:s16], $0x4000  }
0x10: {  	[sflag:s16] =	ssyncset.done $0x0  }
0x11: {  	s17 =	sadd.s32 $0x1, s17;
	[sflag:s16] =	ssyncadd.s32 $0xFFFFC000  }
0x12: {  	p0 =	sne.s32 s17, s9;
	_ =	swait.ge [sflag:s16], $0x4000  }
.Ltmp1:
0x13: {  	[sflag:s16] =	ssyncset.done $0x0;
	(pc) =	sbr.rel @!p0 .LBB2_8-.Ltmp1, $4  }
0x14: {  	[sflag:s16] =	ssyncadd.s32 $0xFFFFC000  }
0x15: {  	_ =	swait.ge [sflag:s16], $0x4000  }
0x16: {  	[sflag:s16] =	ssyncset.done $0x0  }
0x17: {  	[sflag:s16] =	ssyncadd.s32 $0xFFFFC000  }
.LBB2_1:
0x18: {  	[tilespmem:s2], [sflag:$0x1] =	stream.strided.gather [hbm4b:s5+s10], $0x2000, s11, s10, $0x38;
	[tilespmem:$0x18000] =	vst v63  }
.Ltmp2:
0x19: {  	_ = 	snop;
	(pc) =	sbr.rel .LBB2_2-.Ltmp2, $4  }
0x1a: {  	_ = 	snop  }
0x1b: {  	[tilespmem:s12], [sflag:$0x1] =	stream.strided.gather [hbm4b:s6+s10], $0x2000, s11, s10, $0x38;
	[tilespmem:$0x18000] =	vst v63  }
0x1c: {  	s18 =	simm.s32 $0x0  }
0x1d: {  	[tilespmem:s13], [sflag:$0x1] =	stream.strided.gather [hbm4b:s7+s10], $0x2000, s11, s10, $0x38;
	[tilespmem:$0x18000] =	vst v63  }
.LBB2_6:
0x1e: {  	s18 =	sadd.s32 $0x1, s18  }
0x1f: {  	p0 =	sne.s32 s18, $0xF5  }
.Ltmp3:
0x20: {  	_ = 	snop;
	(pc) =	sbr.rel @!p0 .LBB2_7-.Ltmp3, $1  }
0x21: {  	_ =	sdelay $0x3  }
.LBB2_2:
0x22: {  	s19 =	sadd.s32 s4, s18  }
0x23: {  	p0 =	sgt.u32 s19, $0x1E84  }
.Ltmp4:
0x24: {  	_ = 	snop;
	(pc) =	sbr.rel @p0 .LBB2_6-.Ltmp4, $1  }
0x25: {  	_ =	sdelay $0x3  }
0x26: {  	p0 =	sgt.u32 s18, $0xF1  }
0x27: {  	_ =	swait.ge [sflag:s14], $0x2000;
	p1 =	sgt.u32 @!p0 s19, $0x1E81  }
0x28: {  	s22 =	simm.s32 $0x0;
	[sflag:s14] =	ssyncset.done $0x0;
	p0 =	por p1, p0  }
0x29: {  	s30 =	simm.s32 $0x1;
	[sflag:s14] =	ssyncadd.s32 $0xFFFFE000;
	s20 =	sshll.u32 @!p0 s18, $0xF  }
0x2a: {  	v25 =	vadd.s32 s22, v0;
	s22 =	sshll.u32 @!p0 s19, $0x7;
	s21 =	sadd.s32 @!p0 $0x18000, s20;
	s20 =	sand.u32 $0x3, s18  }
0x2b: {  	s24 =	simm.s32 @!p0 $0x7A1400;
	s21 =	sand.u32 @!p0 $0x18000, s21;
	s23 =	sshll.u32 s20, $0x6  }
0x2c: {  	v26 =	vand.u32 $0xF, v25;
	s22 =	sadd.s32 @!p0 s22, s8;
	s21 =	sshrl.u32 @!p0 s21, $0x2;
	v24 =	vmov s23;
	s23 =	simm.s32 @!p0 $0x400  }
0x2d: {  	v16 =	vor.u32 v24, v26;
	[tilespmem:s21], [sflag:$0x1] =	stream.strided.gather @!p0 [hbm4b:s22+s23], $0x2000, s24, s23, $0x38;
	[tilespmem:$0x18000] =	vst v63  }
0x2e: {  	v36 =	vadd.s32 s30, v0;
	v37 =	vor.u32 $0x10, v25;
	s29 =	sshll.u32 s20, $0x7;
	p0 =	slt.u32 s18, $0x4;
	v20 =	vshll.u32 v16, $0x7  }
0x2f: {  	v38 =	vand.u32 $0xF, v36;
	v18 =	vmov s29;
	s21 =	simm.s32 @!p0 $0x2;
	v16 =	vor.u32 v0, v20  }
0x30: {  	v28 =	vshll.u32 v18, $0x7;
	v40 =	vor.u32 v24, v37;
	v17 =	vor.u32 v9, v20;
	_ =	swait.ge @!p0 [sflag:s21], $0x4000  }
0x31: {  	v41 =	vor.u32 v24, v38;
	v23 =	vor.u32 v1, v28;
	v29 =	vor.u32 v10, v20;
	v2 =	vld [tilespmem:$0x1FFF0]  }
0x32: {  	v22 =	vor.u32 v8, v28;
	v21 =	vor.u32 v7, v28;
	v30 =	vor.u32 v13, v20;
	[sflag:s21] =	ssyncset.done @!p0 $0x0  }
0x33: {  	v19 =	vor.u32 v6, v28;
	v18 =	vor.u32 v4, v28;
	v27 =	vor.u32 v11, v20;
	[sflag:s21] =	ssyncadd.s32 @!p0 $0xFFFFC000  }
0x34: {  	v40 =	vshll.u32 v40, $0x7;
	v41 =	vshll.u32 v41, $0x7;
	v31 =	vor.u32 v14, v20;
	v32 =	vld.idx.msk [tilespmem:v16+s2+$0x0], $0xffff  }
0x35: {  	v33 =	vor.u32 v12, v20;
	v35 =	vor.u32 v15, v20;
	v16 =	vor.u32 v5, v28;
	v34 =	vld.idx.msk [tilespmem:v17+s2+$0x0], $0xffff  }
0x36: {  	v17 =	vor.u32 v3, v28;
	v20 =	vor.u32 v2, v28;
	v28 =	vld.idx.msk [tilespmem:v29+s2+$0x0], $0xffff;
	v29 =	vor.u32 v23, v26  }
0x37: {  	v39 =	vor.u32 v21, v26;
	v45 =	vor.u32 v0, v41;
	v25 =	vld.idx.msk [tilespmem:v30+s2+$0x0], $0xffff;
	v30 =	vor.u32 v22, v26  }
0x38: {  	v42 =	vor.u32 v19, v26;
	v43 =	vor.u32 v12, v40;
	v59 =	vor.u32 v13, v41;
	v27 =	vld.idx.msk [tilespmem:v27+s2+$0x0], $0xffff  }
0x39: {  	v57 =	vor.u32 v9, v41;
	v47 =	vor.u32 v10, v41;
	v61 =	vor.u32 v15, v41;
	v31 =	vld.idx.msk [tilespmem:v31+s2+$0x0], $0xffff  }
0x3a: {  	v60 =	vor.u32 v14, v41;
	v48 =	vor.u32 v11, v40;
	v33 =	vld.idx.msk [tilespmem:v33+s2+$0x0], $0xffff;
	v44 =	vor.u32 v16, v26  }
0x3b: {  	v49 =	vor.u32 v23, v38;
	v35 =	vld.idx.msk [tilespmem:v35+s2+$0x0], $0xffff;
	[tilespmem:v29+s15+$0x0] =	vst.idx.msk $0xffff, v32;
	v29 =	vor.u32 v18, v26  }
0x3c: {  	v62 =	vld.idx.msk [tilespmem:v45+s2+$0x0], $0xffff;
	v46 =	vor.u32 v17, v26;
	v58 =	vor.u32 v20, v26;
	[tilespmem:v30+s15+$0x0] =	vst.idx.msk $0xffff, v34  }
0x3d: {  	v26 =	vor.u32 $0x10, v36;
	v36 =	vld.idx.msk [tilespmem:v59+s2+$0x0], $0xffff;
	v30 =	vor.u32 v11, v41;
	[tilespmem:v39+s15+$0x0] =	vst.idx.msk $0xffff, v28  }
0x3e: {  	v50 =	vor.u32 v10, v40;
	v59 =	vld.idx.msk [tilespmem:v61+s2+$0x0], $0xffff;
	v41 =	vor.u32 v12, v41;
	[tilespmem:v42+s15+$0x0] =	vst.idx.msk $0xffff, v27  }
0x3f: {  	v52 =	vor.u32 v14, v40;
	v53 =	vor.u32 v22, v38;
	v34 =	vld.idx.msk [tilespmem:v47+s2+$0x0], $0xffff;
	[tilespmem:v44+s15+$0x0] =	vst.idx.msk $0xffff, v33  }
0x40: {  	v45 =	vor.u32 v21, v37;
	v39 =	vld.idx.msk [tilespmem:v60+s2+$0x0], $0xffff;
	[tilespmem:v29+s15+$0x0] =	vst.idx.msk $0xffff, v25;
	v25 =	vor.u32 v0, v40  }
0x41: {  	v55 =	vor.u32 v17, v38;
	v56 =	vor.u32 v20, v38;
	v47 =	vor.u32 v22, v37;
	v44 =	vld.idx.msk [tilespmem:v57+s2+$0x0], $0xffff  }
0x42: {  	v28 =	vor.u32 v21, v38;
	v27 =	vor.u32 v24, v26;
	[tilespmem:v46+s15+$0x0] =	vst.idx.msk $0xffff, v31;
	v31 =	vld.idx.msk [tilespmem:v30+s2+$0x0], $0xffff  }
0x43: {  	v42 =	vor.u32 v16, v38;
	v51 =	vshll.u32 v27, $0x7;
	v41 =	vld.idx.msk [tilespmem:v41+s2+$0x0], $0xffff;
	[tilespmem:v58+s15+$0x0] =	vst.idx.msk $0xffff, v35  }
0x44: {  	s31 =	simm.s32 $0x2;
	v57 =	vor.u32 v19, v38;
	v33 =	vor.u32 v18, v38;
	v30 =	vor.u32 v15, v40;
	v60 =	vld.idx.msk [tilespmem:v52+s2+$0x0], $0xffff  }
0x45: {  	v35 =	vor.u32 v9, v40;
	v40 =	vor.u32 v13, v40;
	v54 =	vld.idx.msk [tilespmem:v25+s2+$0x0], $0xffff;
	v25 =	vadd.s32 s31, v0  }
0x46: {  	v27 =	vor.u32 v12, v51;
	[tilespmem:v49+s15+$0x0] =	vst.idx.msk $0xffff, v62;
	v50 =	vld.idx.msk [tilespmem:v50+s2+$0x0], $0xffff;
	v29 =	vand.u32 $0xF, v25  }
0x47: {  	v46 =	vor.u32 v23, v37;
	[tilespmem:v53+s15+$0x0] =	vst.idx.msk $0xffff, v44;
	v53 =	vld.idx.msk [tilespmem:v43+s2+$0x0], $0xffff;
	v58 =	vor.u32 v24, v29  }
0x48: {  	v43 =	vor.u32 v21, v26;
	[tilespmem:v28+s15+$0x0] =	vst.idx.msk $0xffff, v34;
	v34 =	vor.u32 v23, v26;
	v58 =	vshll.u32 v58, $0x7  }
0x49: {  	v25 =	vor.u32 $0x10, v25;
	[tilespmem:v57+s15+$0x0] =	vst.idx.msk $0xffff, v31;
	v32 =	vor.u32 v21, v29;
	v38 =	vor.u32 v0, v58  }
0x4a: {  	v52 =	vld.idx.msk [tilespmem:v40+s2+$0x0], $0xffff;
	v28 =	vor.u32 v24, v25;
	[tilespmem:v42+s15+$0x0] =	vst.idx.msk $0xffff, v41;
	v49 =	vor.u32 v9, v58  }
0x4b: {  	v63 =	vld.idx.msk [tilespmem:v35+s2+$0x0], $0xffff;
	[tilespmem:v33+s15+$0x0] =	vst.idx.msk $0xffff, v36;
	v40 =	vor.u32 v10, v58;
	v44 =	vor.u32 v11, v58  }
0x4c: {  	v30 =	vld.idx.msk [tilespmem:v30+s2+$0x0], $0xffff;
	v61 =	vor.u32 v13, v58;
	v62 =	vor.u32 v14, v58;
	v35 =	vor.u32 v15, v58  }
0x4d: {  	v57 =	vor.u32 v12, v58;
	v58 =	vld.idx.msk [tilespmem:v48+s2+$0x0], $0xffff;
	[tilespmem:v55+s15+$0x0] =	vst.idx.msk $0xffff, v39;
	v39 =	vor.u32 v19, v37  }
0x4e: {  	v31 =	vshll.u32 v28, $0x7;
	v55 =	vor.u32 v16, v37;
	[tilespmem:v56+s15+$0x0] =	vst.idx.msk $0xffff, v59;
	v42 =	vld.idx.msk [tilespmem:v38+s2+$0x0], $0xffff  }
0x4f: {  	v33 =	vor.u32 v22, v26;
	[tilespmem:v46+s15+$0x0] =	vst.idx.msk $0xffff, v54;
	v54 =	vor.u32 v18, v37;
	v41 =	vld.idx.msk [tilespmem:v49+s2+$0x0], $0xffff  }
0x50: {  	v56 =	vor.u32 v0, v51;
	[tilespmem:v47+s15+$0x0] =	vst.idx.msk $0xffff, v63;
	v63 =	vor.u32 v17, v37;
	v36 =	vld.idx.msk [tilespmem:v44+s2+$0x0], $0xffff  }
0x51: {  	v28 =	vor.u32 v12, v31;
	v48 =	vor.u32 v20, v37;
	[tilespmem:v45+s15+$0x0] =	vst.idx.msk $0xffff, v50;
	v44 =	vld.idx.msk [tilespmem:v40+s2+$0x0], $0xffff  }
0x52: {  	v47 =	vor.u32 v9, v51;
	v45 =	vor.u32 v10, v51;
	v37 =	vld.idx.msk [tilespmem:v61+s2+$0x0], $0xffff;
	[tilespmem:v39+s15+$0x0] =	vst.idx.msk $0xffff, v58  }
0x53: {  	v50 =	vor.u32 v14, v51;
	v49 =	vor.u32 v15, v51;
	v38 =	vld.idx.msk [tilespmem:v62+s2+$0x0], $0xffff;
	[tilespmem:v55+s15+$0x0] =	vst.idx.msk $0xffff, v53  }
0x54: {  	v40 =	vor.u32 v11, v51;
	v46 =	vld.idx.msk [tilespmem:v57+s2+$0x0], $0xffff;
	v51 =	vor.u32 v13, v51;
	[tilespmem:v54+s15+$0x0] =	vst.idx.msk $0xffff, v52  }
0x55: {  	s22 =	simm.s32 $0x3;
	s21 =	simm.s32 $0x4;
	v53 =	vor.u32 v23, v29;
	v39 =	vld.idx.msk [tilespmem:v56+s2+$0x0], $0xffff;
	v52 =	vor.u32 v22, v29;
	[tilespmem:v63+s15+$0x0] =	vst.idx.msk $0xffff, v60  }
.LBB2_4:
0x56: {  	v54 =	vadd.s32 s22, v0;
	v55 =	vor.u32 v17, v29;
	v56 =	vor.u32 v20, v29  }
0x57: {  	p0 =	sne.s32 s21, $0xF;
	v57 =	vmovc v25;
	v58 =	vmovc v31;
	v31 =	vmov v27;
	v27 =	vmov v28;
	v59 =	vmov v43;
	s22 =	smov.u32 s21;
	s21 =	sadd.s32 $0x1, s21  }
0x58: {  	v43 =	vor.u32 v19, v29;
	v28 =	vand.u32 $0xF, v54;
	v25 =	vor.u32 $0x10, v54;
	[tilespmem:v48+s15+$0x0] =	vst.idx.msk $0xffff, v30;
	v30 =	vld.idx.msk [tilespmem:v49+s2+$0x0], $0xffff  }
0x59: {  	v60 =	vor.u32 v16, v29;
	v48 =	vor.u32 v24, v28;
	v49 =	vor.u32 v21, v28;
	v54 =	vld.idx.msk [tilespmem:v35+s2+$0x0], $0xffff  }
0x5a: {  	v48 =	vshll.u32 v48, $0x7;
	[tilespmem:v53+s15+$0x0] =	vst.idx.msk $0xffff, v42;
	v42 =	vor.u32 v18, v29;
	v61 =	vld.idx.msk [tilespmem:v50+s2+$0x0], $0xffff;
	v29 =	vmov v28  }
0x5b: {  	v28 =	vor.u32 v0, v48;
	v50 =	vor.u32 v9, v48;
	[tilespmem:v52+s15+$0x0] =	vst.idx.msk $0xffff, v41;
	v51 =	vld.idx.msk [tilespmem:v51+s2+$0x0], $0xffff  }
0x5c: {  	v52 =	vor.u32 v10, v48;
	v53 =	vor.u32 v11, v48;
	[tilespmem:v32+s15+$0x0] =	vst.idx.msk $0xffff, v44;
	v62 =	vld.idx.msk [tilespmem:v31+s2+$0x0], $0xffff  }
0x5d: {  	v63 =	vor.u32 v13, v48;
	v2 =	vor.u32 v14, v48;
	[tilespmem:v43+s15+$0x0] =	vst.idx.msk $0xffff, v36;
	v47 =	vld.idx.msk [tilespmem:v47+s2+$0x0], $0xffff  }
0x5e: {  	v35 =	vor.u32 v15, v48;
	v31 =	vor.u32 v24, v25;
	[tilespmem:v60+s15+$0x0] =	vst.idx.msk $0xffff, v46;
	v45 =	vld.idx.msk [tilespmem:v45+s2+$0x0], $0xffff  }
0x5f: {  	v32 =	vmov v49;
	v31 =	vshll.u32 v31, $0x7;
	v46 =	vor.u32 v12, v48;
	[tilespmem:v42+s15+$0x0] =	vst.idx.msk $0xffff, v37;
	v60 =	vld.idx.msk [tilespmem:v40+s2+$0x0], $0xffff  }
0x60: {  	v42 =	vld.idx.msk [tilespmem:v28+s2+$0x0], $0xffff;
	v28 =	vor.u32 v12, v31;
	[tilespmem:v55+s15+$0x0] =	vst.idx.msk $0xffff, v38;
	v55 =	vor.u32 v19, v26  }
0x61: {  	v48 =	vor.u32 v20, v26;
	v41 =	vld.idx.msk [tilespmem:v50+s2+$0x0], $0xffff;
	[tilespmem:v56+s15+$0x0] =	vst.idx.msk $0xffff, v54;
	v50 =	vor.u32 v16, v26  }
0x62: {  	v54 =	vor.u32 v0, v58;
	v56 =	vor.u32 v18, v26;
	v36 =	vld.idx.msk [tilespmem:v53+s2+$0x0], $0xffff;
	[tilespmem:v34+s15+$0x0] =	vst.idx.msk $0xffff, v39  }
0x63: {  	v43 =	vor.u32 v21, v57;
	v26 =	vor.u32 v17, v26;
	v44 =	vld.idx.msk [tilespmem:v52+s2+$0x0], $0xffff;
	[tilespmem:v33+s15+$0x0] =	vst.idx.msk $0xffff, v47  }
.Ltmp5:
0x64: {  	v34 =	vor.u32 v23, v57;
	v33 =	vor.u32 v22, v57;
	v37 =	vld.idx.msk [tilespmem:v63+s2+$0x0], $0xffff;
	[tilespmem:v59+s15+$0x0] =	vst.idx.msk $0xffff, v45;
	(pc) =	sbr.rel @p0 .LBB2_4-.Ltmp5, $4  }
0x65: {  	v49 =	vor.u32 v15, v58;
	v40 =	vor.u32 v11, v58;
	v38 =	vld.idx.msk [tilespmem:v2+s2+$0x0], $0xffff;
	[tilespmem:v55+s15+$0x0] =	vst.idx.msk $0xffff, v60  }
0x66: {  	v47 =	vor.u32 v9, v58;
	v45 =	vor.u32 v10, v58;
	v46 =	vld.idx.msk [tilespmem:v46+s2+$0x0], $0xffff;
	[tilespmem:v50+s15+$0x0] =	vst.idx.msk $0xffff, v62  }
0x67: {  	v53 =	vor.u32 v23, v29;
	v50 =	vor.u32 v14, v58;
	v39 =	vld.idx.msk [tilespmem:v54+s2+$0x0], $0xffff;
	[tilespmem:v56+s15+$0x0] =	vst.idx.msk $0xffff, v51  }
0x68: {  	v52 =	vor.u32 v22, v29;
	v51 =	vor.u32 v13, v58;
	[tilespmem:v26+s15+$0x0] =	vst.idx.msk $0xffff, v61;
	v26 =	vmov v57  }
0x69: {  	_ =	sdelay $0x3  }
0x6a: {  	[tilespmem:v48+s15+$0x0] =	vst.idx.msk $0xffff, v30;
	v30 =	vld.idx.msk [tilespmem:v35+s2+$0x0], $0xffff  }
0x6b: {  	v49 =	vld.idx.msk [tilespmem:v49+s2+$0x0], $0xffff  }
0x6c: {  	v50 =	vld.idx.msk [tilespmem:v50+s2+$0x0], $0xffff  }
0x6d: {  	v2 =	vor.u32 v19, v29;
	v54 =	vadd.s32 s22, v0;
	v47 =	vld.idx.msk [tilespmem:v47+s2+$0x0], $0xffff  }
0x6e: {  	v61 =	vor.u32 v16, v29;
	[tilespmem:v53+s15+$0x0] =	vst.idx.msk $0xffff, v42;
	v45 =	vld.idx.msk [tilespmem:v45+s2+$0x0], $0xffff;
	v48 =	vand.u32 $0xF, v54  }
0x6f: {  	v62 =	vor.u32 v18, v29;
	v40 =	vld.idx.msk [tilespmem:v40+s2+$0x0], $0xffff;
	[tilespmem:v52+s15+$0x0] =	vst.idx.msk $0xffff, v41;
	v55 =	vor.u32 v24, v48  }
0x70: {  	v63 =	vor.u32 v17, v29;
	v27 =	vld.idx.msk [tilespmem:v27+s2+$0x0], $0xffff;
	[tilespmem:v32+s15+$0x0] =	vst.idx.msk $0xffff, v44;
	v55 =	vshll.u32 v55, $0x7  }
0x71: {  	v60 =	vor.u32 v19, v26;
	v44 =	vld.idx.msk [tilespmem:v51+s2+$0x0], $0xffff;
	[tilespmem:v34+s15+$0x0] =	vst.idx.msk $0xffff, v39;
	v56 =	vor.u32 v0, v55  }
0x72: {  	v52 =	vor.u32 v20, v29;
	v57 =	vor.u32 v9, v55;
	[tilespmem:v2+s15+$0x0] =	vst.idx.msk $0xffff, v36  }
0x73: {  	v53 =	vor.u32 v17, v26;
	v58 =	vor.u32 v11, v55;
	[tilespmem:v33+s15+$0x0] =	vst.idx.msk $0xffff, v47  }
0x74: {  	v35 =	vor.u32 v21, v48;
	v59 =	vor.u32 v10, v55;
	[tilespmem:v61+s15+$0x0] =	vst.idx.msk $0xffff, v46  }
0x75: {  	v61 =	vor.u32 v13, v55;
	[tilespmem:v62+s15+$0x0] =	vst.idx.msk $0xffff, v37;
	v62 =	vor.u32 v16, v26  }
0x76: {  	v51 =	vor.u32 v18, v26;
	[tilespmem:v63+s15+$0x0] =	vst.idx.msk $0xffff, v38;
	v63 =	vor.u32 v14, v55;
	v32 =	vld.idx.msk [tilespmem:v56+s2+$0x0], $0xffff  }
0x77: {  	v41 =	vor.u32 v15, v55;
	[tilespmem:v52+s15+$0x0] =	vst.idx.msk $0xffff, v30;
	v52 =	vor.u32 v12, v55;
	v36 =	vld.idx.msk [tilespmem:v57+s2+$0x0], $0xffff  }
0x78: {  	v2 =	vor.u32 $0x10, v54;
	[tilespmem:v43+s15+$0x0] =	vst.idx.msk $0xffff, v45;
	v46 =	vld.idx.msk [tilespmem:v58+s2+$0x0], $0xffff;
	v56 =	vor.u32 v23, v48  }
0x79: {  	v54 =	vor.u32 v20, v26;
	[tilespmem:v60+s15+$0x0] =	vst.idx.msk $0xffff, v40;
	v60 =	vor.u32 v14, v31;
	v37 =	vld.idx.msk [tilespmem:v59+s2+$0x0], $0xffff  }
0x7a: {  	v55 =	vor.u32 v0, v31;
	v58 =	vor.u32 v22, v48;
	v40 =	vld.idx.msk [tilespmem:v61+s2+$0x0], $0xffff;
	[tilespmem:v62+s15+$0x0] =	vst.idx.msk $0xffff, v27  }
0x7b: {  	v57 =	vor.u32 v15, v31;
	v59 =	vor.u32 v24, v2;
	v29 =	vld.idx.msk [tilespmem:v63+s2+$0x0], $0xffff;
	[tilespmem:v51+s15+$0x0] =	vst.idx.msk $0xffff, v44  }
0x7c: {  	v61 =	vor.u32 v13, v31;
	v62 =	vor.u32 v19, v48;
	v34 =	vld.idx.msk [tilespmem:v52+s2+$0x0], $0xffff;
	[tilespmem:v53+s15+$0x0] =	vst.idx.msk $0xffff, v50  }
0x7d: {  	v63 =	vor.u32 v9, v31;
	v51 =	vor.u32 v16, v48;
	v50 =	vld.idx.msk [tilespmem:v41+s2+$0x0], $0xffff;
	[tilespmem:v56+s15+$0x0] =	vst.idx.msk $0xffff, v32  }
0x7e: {  	v30 =	vld.idx.msk [tilespmem:v60+s2+$0x0], $0xffff;
	v52 =	vor.u32 v10, v31;
	v53 =	vor.u32 v18, v48;
	[tilespmem:v54+s15+$0x0] =	vst.idx.msk $0xffff, v49  }
0x7f: {  	v43 =	vld.idx.msk [tilespmem:v55+s2+$0x0], $0xffff;
	v55 =	vor.u32 v17, v48;
	v54 =	vor.u32 v11, v31;
	[tilespmem:v58+s15+$0x0] =	vst.idx.msk $0xffff, v36  }
0x80: {  	v24 =	vshll.u32 v59, $0x7;
	v42 =	vld.idx.msk [tilespmem:v57+s2+$0x0], $0xffff;
	v56 =	vor.u32 v20, v48;
	[tilespmem:v35+s15+$0x0] =	vst.idx.msk $0xffff, v37  }
0x81: {  	v57 =	vor.u32 v23, v25;
	v58 =	vor.u32 v0, v24;
	v36 =	vld.idx.msk [tilespmem:v61+s2+$0x0], $0xffff;
	[tilespmem:v62+s15+$0x0] =	vst.idx.msk $0xffff, v46  }
0x82: {  	v59 =	vor.u32 v22, v25;
	v61 =	vor.u32 v15, v24;
	v60 =	vld.idx.msk [tilespmem:v63+s2+$0x0], $0xffff;
	[tilespmem:v51+s15+$0x0] =	vst.idx.msk $0xffff, v34  }
0x83: {  	v45 =	vor.u32 v14, v24;
	v62 =	vor.u32 v21, v25;
	v63 =	vld.idx.msk [tilespmem:v52+s2+$0x0], $0xffff;
	[tilespmem:v53+s15+$0x0] =	vst.idx.msk $0xffff, v40  }
0x84: {  	v47 =	vor.u32 v13, v24;
	v46 =	vor.u32 v19, v25;
	v31 =	vld.idx.msk [tilespmem:v54+s2+$0x0], $0xffff;
	[tilespmem:v55+s15+$0x0] =	vst.idx.msk $0xffff, v29  }
0x85: {  	v28 =	vld.idx.msk [tilespmem:v28+s2+$0x0], $0xffff;
	v48 =	vor.u32 v16, v25;
	v49 =	vor.u32 v9, v24;
	[tilespmem:v56+s15+$0x0] =	vst.idx.msk $0xffff, v50  }
0x86: {  	v51 =	vor.u32 v10, v24;
	[tilespmem:v57+s15+$0x0] =	vst.idx.msk $0xffff, v43;
	v50 =	vor.u32 v18, v25;
	v33 =	vld.idx.msk [tilespmem:v58+s2+$0x0], $0xffff  }
0x87: {  	v52 =	vor.u32 v17, v25;
	v53 =	vor.u32 v11, v24;
	[tilespmem:v59+s15+$0x0] =	vst.idx.msk $0xffff, v60;
	v34 =	vld.idx.msk [tilespmem:v61+s2+$0x0], $0xffff  }
0x88: {  	v24 =	vor.u32 v12, v24;
	v55 =	vor.u32 v23, v2;
	v32 =	vld.idx.msk [tilespmem:v45+s2+$0x0], $0xffff;
	[tilespmem:v62+s15+$0x0] =	vst.idx.msk $0xffff, v63  }
0x89: {  	v54 =	vor.u32 v20, v25;
	v56 =	vld.idx.msk [tilespmem:v47+s2+$0x0], $0xffff;
	[tilespmem:v46+s15+$0x0] =	vst.idx.msk $0xffff, v31  }
0x8a: {  	v57 =	vor.u32 v22, v2;
	v58 =	vld.idx.msk [tilespmem:v49+s2+$0x0], $0xffff;
	[tilespmem:v48+s15+$0x0] =	vst.idx.msk $0xffff, v28  }
0x8b: {  	v59 =	vor.u32 v21, v2;
	v60 =	vld.idx.msk [tilespmem:v51+s2+$0x0], $0xffff;
	[tilespmem:v50+s15+$0x0] =	vst.idx.msk $0xffff, v36  }
0x8c: {  	v62 =	vor.u32 v19, v2;
	v61 =	vld.idx.msk [tilespmem:v53+s2+$0x0], $0xffff;
	[tilespmem:v52+s15+$0x0] =	vst.idx.msk $0xffff, v30  }
0x8d: {  	v16 =	vor.u32 v16, v2;
	v24 =	vld.idx.msk [tilespmem:v24+s2+$0x0], $0xffff;
	[tilespmem:v55+s15+$0x0] =	vst.idx.msk $0xffff, v33  }
0x8e: {  	v63 =	vor.u32 v18, v2;
	[tilespmem:v54+s15+$0x0] =	vst.idx.msk $0xffff, v42  }
0x8f: {  	v17 =	vor.u32 v17, v2;
	[tilespmem:v57+s15+$0x0] =	vst.idx.msk $0xffff, v58  }
0x90: {  	v2 =	vor.u32 v20, v2;
	[tilespmem:v59+s15+$0x0] =	vst.idx.msk $0xffff, v60  }
0x91: {  	[tilespmem:v62+s15+$0x0] =	vst.idx.msk $0xffff, v61  }
.Ltmp6:
0x92: {  	[tilespmem:v16+s15+$0x0] =	vst.idx.msk $0xffff, v24;
	(pc) =	sbr.rel .LBB2_6-.Ltmp6, $4  }
0x93: {  	[tilespmem:v63+s15+$0x0] =	vst.idx.msk $0xffff, v56  }
0x94: {  	s20 =	sshll.u32 s20, $0xE;
	s19 =	sshll.u32 s19, $0xB;
	[tilespmem:v17+s15+$0x0] =	vst.idx.msk $0xffff, v32  }
0x95: {  	s20 =	sadd.s32 $0x8000, s20;
	s19 =	sadd.s32 s3, s19;
	[tilespmem:v2+s15+$0x0] =	vst.idx.msk $0xffff, v34  }
0x96: {  	[hbm4b:s19+s2] =	stream.linear.scatter [tilespmem:s20], [sflag:$0x2], $0x4000, $0x38;
	[tilespmem:$0x18000] =	vst v63  }
.LBB2_8:
0x97: {  	_ =	sfence.sel $0x180000  }
0x98: {  	[bflag:$0x0] =	sbarrier.arrive $0xFFFF  }
0x99: {  	p0 =	sne.s32 s0, $0x0;
	_ =	strace $0x90000047  }
0x9a: {  	s0 =	sadd.s32 @!p0 $0x100000, s1;
	[bflag:$0x2] =	sbarrier.arrive $0xFFFF  }
0x9b: {  	[sflag:s0] =	ssyncadd.tile.s32 @!p0 $0x1;
	_ =	shalt  }
.Lfunc_end2:
_tile_overlayer_lowered:
.L_overlay_start_2:
0x9c: {  	(tag) =	ssettag $0x2  }
0x9d: {  	s0 =	rddreg [dreg:$0x0];
	s2 =	stileid.u32  }
0x9e: {  	s1 =	rddreg [dreg:$0x1];
	p0 =	sne.s32 s2, $0x0  }
0x9f: {  	s3 =	rddreg [dreg:$0x2];
	[bflag:$0x3] =	sbarrier.arrive $0xFFFF;
	s2 =	simm.s32 @!p0 $0x1C03  }
0xa0: {  	[timem:s3], [sflag:s2] =	dma.local @!p0 [hbm:s0], s1  }
0xa1: {  	s0 =	simm.s32 @!p0 $0x3  }
0xa2: {  	_ =	swait.ge @!p0 [sflag:s0], s1  }
0xa3: {  	s1 =	ssub.s32 @!p0 $0x0, s1;
	[sflag:s0] =	ssyncset.done @!p0 $0x0  }
0xa4: {  	[sflag:s0] =	ssyncadd.s32 @!p0 s1  }
0xa5: {  	[bflag:$0x3] =	sbarrier.arrive $0xFFFF  }
0xa6: {  	_ =	shalt  }

// kernel: _gather.7.cloned.1.call-start
scs
__scs_entry_jumppad:
0x0: {  	(pc) =	sbr.rel $0x88, $3  }
0x1: {  	(tag) =	ssettag $0x0;
	lr =	simm.s32 $0x1  }
0x2: {  	[smem:$0x3F9E] =	sst lr;
	_ =	strace $0xD0000000  }
0x3: {  	_ = 	snop  }
0x4: {  	_ = 	snop  }
0x5: {  	_ = 	snop  }
0x6: {  	_ = 	snop  }
0x7: {  	_ = 	snop  }
__scs_overlays_trampoline_lowered:
0x8: {  	[smem:$0x3FAD] =	sst s0  }
0x9: {  	[smem:$0x3FAE] =	sst s1  }
0xa: {  	[smem:$0x3FAF] =	sst s2  }
0xb: {  	[smem:$0x3FB0] =	sst s3  }
0xc: {  	[smem:$0x3FB1] =	sst s4  }
0xd: {  	[smem:$0x3FB2] =	sst s5  }
0xe: {  	[smem:$0x3FB3] =	sst s6  }
0xf: {  	[smem:$0x3FB4] =	sst s7  }
0x10: {  	[smem:$0x3FB5] =	sst s8  }
0x11: {  	[smem:$0x3FB6] =	sst s9;
	s0 =	simm.s32 @!p0 $0x0  }
0x12: {  	s1 =	sld [smem:$0x3F9C];
	s0 =	simm.s32 @p0 $0x1  }
0x13: {  	[smem:$0x3FB7] =	sst s0;
	s0 =	simm.s32 @!p1 $0x0  }
0x14: {  	s2 =	sld [smem:$0x3F9B];
	s0 =	simm.s32 @p1 $0x1  }
0x15: {  	[smem:$0x3FB8] =	sst s0;
	s0 =	simm.s32 @!p2 $0x0  }
0x16: {  	s3 =	sld [smem:$0x3FDB];
	s0 =	simm.s32 @p2 $0x1  }
0x17: {  	s4 =	simm.s32 $0x1BF5;
	[smem:$0x3FBA] =	sst s0  }
0x18: {  	s0 =	sld [smem:$0x3F9D];
	_ =	swait.ge [sflag:s4], $0x0  }
0x19: {  	s7 =	sld [smem:$0x3F9E]  }
0x1a: {  	s8 =	sadd.s32 $0xFFFFE003, lr  }
0x1b: {  	s9 =	sadd.s32 $0xFFFFFEF7, lr;
	s5 =	simm.s32 $0xFFFFFFFF;
	p2 =	slt.u32 s8, $0xFFFFF086  }
0x1c: {  	p1 =	slt.u32 s9, $0xF7A;
	s5 =	simm.s32 @!p2 $0x0  }
0x1d: {  	s5 =	simm.s32 @p1 $0x1;
	p0 =	seq.s32 s7, s2  }
0x1e: {  	s7 =	smul.u32 @!p0 $0xF7A, s2;
	p2 =	seq.s32 @!p0 s5, $0x0  }
0x1f: {  	s9 =	smul.u32 $0xF7A, s1;
	s8 =	simm.s32 @!p0 $0x1BF5;
	p2 =	por !p2, p0  }
0x20: {  	[sflag:s8] =	ssyncset.s32 @!p0 $0xFFFFF086;
	s6 =	sadd.s32 @!p0 s3, s7;
	s7 =	simm.s32 @!p0 $0x108  }
0x21: {  	s3 =	sadd.s32 s3, s9;
	s6 =	sadd.s32 @!p0 $0x88, s6;
	s7 =	simm.s32 @p2 $0x1082  }
0x22: {  	[simem:s7], [sflag:s8] =	dma.local @!p0 [hbm:s6], $0xF7A  }
0x23: {  	s9 =	sor.u32 $0xD0000000, s2;
	s6 =	simm.s32 $0x108;
	_ =	swait.ge @!p0 [sflag:s8], $0x0  }
0x24: {  	s3 =	sadd.s32 $0x88, s3;
	s6 =	simm.s32 @!p1 $0x1082;
	[sflag:s4] =	ssyncset.s32 $0xFFFFF086  }
0x25: {  	[simem:s6], [sflag:s4] =	dma.local [hbm:s3], $0xF7A  }
0x26: {  	[smem:$0x3F9E] =	sst s1;
	(tag) =	ssettag s2;
	_ =	strace s9  }
0x27: {  	s1 =	sld [smem:$0x3FAE]  }
0x28: {  	s2 =	sld [smem:$0x3FAF]  }
0x29: {  	s4 =	sld [smem:$0x3FB1]  }
0x2a: {  	p0 =	seq.s32 s5, $0x0;
	s5 =	sld [smem:$0x3FB2]  }
0x2b: {  	s6 =	sld [smem:$0x3FB3]  }
0x2c: {  	s7 =	sld [smem:$0x3FB4]  }
0x2d: {  	s3 =	simm.s32 $0x108;
	s8 =	sld [smem:$0x3FB5]  }
0x2e: {  	s3 =	simm.s32 @!p0 $0x1082;
	s9 =	sld [smem:$0x3FB6]  }
0x2f: {  	lr =	sadd.s32 s0, s3;
	s0 =	sld [smem:$0x3FAD]  }
0x30: {  	s3 =	sld [smem:$0x3FB0]  }
0x31: {  	[smem:$0x3FB9] =	sst s10  }
0x32: {  	s10 =	sld [smem:$0x3FB7];
	_ =	sdelay $0x3  }
0x33: {  	p0 =	seq.s32 s10, $0x1;
	s10 =	sld [smem:$0x3FB9];
	_ =	sdelay $0x3  }
0x34: {  	[smem:$0x3FB9] =	sst s10  }
0x35: {  	s10 =	sld [smem:$0x3FB8];
	_ =	sdelay $0x3  }
0x36: {  	p1 =	seq.s32 s10, $0x1;
	s10 =	sld [smem:$0x3FB9];
	_ =	sdelay $0x3  }
0x37: {  	[smem:$0x3FB9] =	sst s10  }
0x38: {  	s10 =	sld [smem:$0x3FBA]  }
0x39: {  	_ = 	snop;
	(pc) =	sbr.ind lr, $3  }
0x3a: {  	_ = 	snop  }
0x3b: {  	_ = 	snop  }
0x3c: {  	p2 =	seq.s32 s10, $0x1;
	s10 =	sld [smem:$0x3FB9]  }
0x3d: {  	_ =	shalt  }
0x3e: {  	_ =	shalt  }
0x3f: {  	_ =	shalt  }
0x40: {  	_ =	shalt  }
0x41: {  	_ =	shalt  }
0x42: {  	_ =	shalt  }
0x43: {  	_ =	shalt  }
0x44: {  	_ =	shalt  }
0x45: {  	_ =	shalt  }
0x46: {  	_ =	shalt  }
0x47: {  	_ =	shalt  }
0x48: {  	_ =	shalt  }
0x49: {  	_ =	shalt  }
0x4a: {  	_ =	shalt  }
0x4b: {  	_ =	shalt  }
0x4c: {  	_ =	shalt  }
0x4d: {  	_ =	shalt  }
0x4e: {  	_ =	shalt  }
0x4f: {  	_ =	shalt  }
0x50: {  	_ =	shalt  }
0x51: {  	_ =	shalt  }
0x52: {  	_ =	shalt  }
0x53: {  	_ =	shalt  }
0x54: {  	_ =	shalt  }
0x55: {  	_ =	shalt  }
0x56: {  	_ =	shalt  }
0x57: {  	_ =	shalt  }
0x58: {  	_ =	shalt  }
0x59: {  	_ =	shalt  }
0x5a: {  	_ =	shalt  }
0x5b: {  	_ =	shalt  }
0x5c: {  	_ =	shalt  }
0x5d: {  	_ =	shalt  }
0x5e: {  	_ =	shalt  }
0x5f: {  	_ =	shalt  }
0x60: {  	_ =	shalt  }
0x61: {  	_ =	shalt  }
0x62: {  	_ =	shalt  }
0x63: {  	_ =	shalt  }
0x64: {  	_ =	shalt  }
0x65: {  	_ =	shalt  }
0x66: {  	_ =	shalt  }
0x67: {  	_ =	shalt  }
0x68: {  	_ =	shalt  }
0x69: {  	_ =	shalt  }
0x6a: {  	_ =	shalt  }
0x6b: {  	_ =	shalt  }
0x6c: {  	_ =	shalt  }
0x6d: {  	_ =	shalt  }
0x6e: {  	_ =	shalt  }
0x6f: {  	_ =	shalt  }
0x70: {  	_ =	shalt  }
0x71: {  	_ =	shalt  }
0x72: {  	_ =	shalt  }
0x73: {  	_ =	shalt  }
0x74: {  	_ =	shalt  }
0x75: {  	_ =	shalt  }
0x76: {  	_ =	shalt  }
0x77: {  	_ =	shalt  }
0x78: {  	_ =	shalt  }
0x79: {  	_ =	shalt  }
0x7a: {  	_ =	shalt  }
0x7b: {  	_ =	shalt  }
0x7c: {  	_ =	shalt  }
0x7d: {  	_ =	shalt  }
0x7e: {  	_ =	shalt  }
0x7f: {  	_ =	shalt  }
0x80: {  	_ =	shalt  }
0x81: {  	_ =	shalt  }
0x82: {  	_ =	shalt  }
0x83: {  	_ =	shalt  }
0x84: {  	_ =	shalt  }
0x85: {  	_ =	shalt  }
0x86: {  	_ =	shalt  }
0x87: {  	_ =	shalt  }
.Lfunc_end0:
.L_simem_size_0:
called_computation.2_lowered:
.L_overlay_start_0:
0x88: {  	s2 =	sld [smem:$0x3FD9]  }
0x89: {  	s3 =	sld [smem:$0x3FFE];
	_ =	sdelay $0x1  }
0x8a: {  	s1 =	srdreg.scid  }
0x8b: {  	s0 =	sand.u32 $0x1, s1  }
0x8c: {  	s17 =	sshll.u32 s0, $0xA;
	s2 =	sadd.s32 s3, s2  }
0x8d: {  	s2 =	sadd.s32 s2, s17  }
0x8e: {  	[smem:$0x3FC5] =	sst s2  }
0x8f: {  	_ = 	snop  }
0x90: {  	s2 =	sld [smem:$0x3FD0];
	(tm) =	ssettm $0x1  }
0x91: {  	s18 =	sld [smem:$0x3FFB];
	_ =	sdelay $0x3  }
0x92: {  	_ =	strace s18  }
0x93: {  	s3 =	sld [smem:$0x3FFC];
	_ =	sdelay $0x3  }
0x94: {  	_ =	strace s3  }
0x95: {  	s3 =	sld [smem:$0x3FFD];
	_ =	sdelay $0x3  }
0x96: {  	_ =	strace s3  }
0x97: {  	_ =	strace $0x8FFFFFFF  }
0x98: {  	s19 =	sld [smem:$0x3FDB];
	_ =	sdelay $0x1  }
0x99: {  	s4 =	simm.s32 $_scs_section_size  }
0x9a: {  	s5 =	simm.s32 $_size__tile_overlayer_lowered;
	s6 =	simm.s32 $_tile_overlayer_lowered  }
0x9b: {  	s22 =	simm.s32 $0x1BFF;
	s21 =	sshll.u32 s6, $0x1;
	s3 =	sadd.s32 s4, s19  }
0x9c: {  	s7 =	simm.s32 $0x0;
	s20 =	sshll.u32 s5, $0x1;
	s5 =	sadd.s32 s21, s3  }
0x9d: {  	[timem:s7], [sflag:s22] =	dma.local [hbm:s5], s20  }
0x9e: {  	_ =	swait.ge [sflag:s22], s20  }
0x9f: {  	s4 =	ssub.s32 $0x0, s20;
	[sflag:s22] =	ssyncset.done $0x0  }
0xa0: {  	[sflag:s22] =	ssyncadd.s32 s4;
	_ =	sdelay $0x1  }
0xa1: {  	s23 =	simm.s32 $0x1B8B  }
0xa2: {  	_ =	swait.ge [sflag:s23], $0x1  }
0xa3: {  	[sflag:s23] =	ssyncset.done $0x0  }
0xa4: {  	s25 =	simm.s32 $0x1B8E;
	s24 =	sld [smem:$0x3FFE];
	[sflag:s23] =	ssyncadd.s32 $0xFFFFFFFF  }
0xa5: {  	s26 =	simm.s32 $execute0_lowered;
	[smem:$0x3FD2] =	sst s25  }
0xa6: {  	s5 =	sshll.u32 s26, $0x1;
	_ =	strace $0x80000049;
	[dreg:$0x1] =	wrdreg $0xFFFFFFFF  }
0xa7: {  	s28 =	simm.s32 $_size_execute0_lowered;
	s3 =	sadd.s32 s3, s5;
	[dreg:$0x0] =	wrdreg $0x0  }
0xa8: {  	s5 =	sshll.u32 s28, $0x1;
	[dreg:$0x2] =	wrdreg s3  }
0xa9: {  	[dreg:$0x3] =	wrdreg s5  }
0xaa: {  	[dreg:$0x4] =	wrdreg $0xC0  }
0xab: {  	_ =	task [dreg:s7], $0x5FFFF  }
0xac: {  	[dreg:$0x1] =	wrdreg $0xFFFFFFFF  }
0xad: {  	[dreg:$0x0] =	wrdreg $0x60  }
0xae: {  	[dreg:$0x2] =	wrdreg s24  }
0xaf: {  	[dreg:$0x3] =	wrdreg s2  }
0xb0: {  	[dreg:$0x4] =	wrdreg $0x9  }
0xb1: {  	_ =	task.clear_ibuf [dreg:s7], $0x5FFFF;
	_ =	strace $0x90000049  }
0xb2: {  	s29 =	simm.s32 $0x9;
	_ =	strace $0x8000004B  }
0xb3: {  	_ =	swait.ge [sflag:s29], $0x1  }
0xb4: {  	[sflag:s29] =	ssyncadd.s32 $0xFFFFFFFF  }
0xb5: {  	_ =	strace $0x9000004B  }
0xb6: {  	_ =	sfence  }
0xb7: {  	s30 =	sld [smem:$0x0];
	_ =	sdelay $0x2  }
0xb8: {  	s31 =	sshll.u32 s1, $0xD;
	s1 =	sshrl.u32 s1, $0x2  }
0xb9: {  	s3 =	sand.u32 $0x4000, s31;
	s1 =	sadd.s32 s1, s30  }
0xba: {  	s0 =	sor.u32 s3, s0;
	s1 =	sshll.u32 s1, $0x11  }
0xbb: {  	s0 =	sor.u32 s1, s0  }
0xbc: {  	s0 =	sadd.s32 $0x8F2B, s0  }
0xbd: {  	[sflag:s0] =	ssyncadd.remote.s32 $0x1  }
0xbe: {  	_ =	sfence.sel $0xFFFF  }
0xbf: {  	[dreg:$0x0] =	wrdreg $0xFFFFFFFF;
	(pc) =	sbr.abs _section_cstart, $3  }
0xc0: {  	[dreg:$0x1] =	wrdreg $0xFFFFFFFF  }
0xc1: {  	_ =	task.clear_ibuf [dreg:s7], $0x2FFFF;
	_ =	strace $0x9FFFFFFF  }
0xc2: {  	(tm) =	ssettm $0x7FFFFFFF  }
0xc3: {  	_ =	shalt  }
tec
execute0_lowered:
.L_overlay_start_1:
0x0: {  	(tag) =	ssettag $0x1  }
0x1: {  	s6 =	rddreg [dreg:$0x0]  }
0x2: {  	s2 =	rddreg [dreg:$0x1]  }
0x3: {  	s3 =	srdreg.scid;
	s0 =	rddreg [dreg:$0x2]  }
0x4: {  	s1 =	stileid.u32;
	s10 =	simm.s32 $0x400;
	s11 =	simm.s32 $0x3  }
0x5: {  	v0 =	vlaneseq.u32;
	s12 =	simm.s32 $0x1;
	s13 =	simm.s32 $0x2;
	s14 =	simm.s32 $0x0  }
0x6: {  	v8 =	vimm.s32 $0x1660;
	vm0 =	vcmask $0x300;
	s5 =	sand.u32 $0x1, s3;
	v0 =	vmul.u32 $0x20, v0;
	s3 =	simm.s32 $0x0;
	s4 =	sshll.u32 s1, $0x6  }
.Ltmp0:
0x7: {  	vm14 =	vcmask $0x704;
	vm15 =	vcmask $0xB08;
	v9 =	vsel vm0, $0x1600, v8;
	s7 =	sshll.u32 s5, $0x5;
	[smem:$0x7FF] =	sst s3;
	(pc) =	sbr.rel .LBB2_1-.Ltmp0, $4  }
0x8: {  	s30 =	ssub.s32 $0x2, s5;
	s5 =	sadd.s32 $0xF43800, s6;
	v11 =	vsel vm14, $0x1620, v9;
	s4 =	sor.u32 s7, s4;
	v1 =	vor.u32 $0x200, v0;
	v2 =	vor.u32 $0x400, v0  }
0x9: {  	_ =	strace $0x8000004A;
	s8 =	sshrl.u32 s30, $0x1;
	v3 =	vor.u32 $0x600, v0;
	v4 =	vor.u32 $0x800, v0;
	v5 =	vor.u32 $0xA00, v0;
	s31 =	sshrl.u32 s4, $0x3  }
0xa: {  	v6 =	vor.u32 $0xC00, v0;
	v7 =	vor.u32 $0xE00, v0;
	v8 =	vor.u32 $0x1000, v0;
	s8 =	ssub.s32 s30, s8;
	s9 =	sadd.s32 s31, s6;
	s6 =	sadd.s32 $0x1000, s6  }
0xb: {  	v9 =	vor.u32 $0x1200, v0;
	v10 =	vor.u32 $0x1400, v0;
	v11 =	vsel vm15, $0x1640, v11;
	s8 =	smax.u32 s8, $0x1;
	s7 =	sadd.s32 $0xF44400, s9;
	s9 =	simm.s32 $0x20  }
.LBB2_17:
0xc: {  	s14 =	sadd.s32 $0x1, s14  }
0xd: {  	_ =	swait.ge [sflag:s13], $0x3200;
	p0 =	sne.s32 s14, s8  }
.Ltmp1:
0xe: {  	[sflag:s13] =	ssyncset.done $0x0;
	(pc) =	sbr.rel @!p0 .LBB2_18-.Ltmp1, $4  }
0xf: {  	[sflag:s13] =	ssyncadd.s32 $0xFFFFCE00  }
0x10: {  	_ =	swait.ge [sflag:s13], $0x3200  }
0x11: {  	[sflag:s13] =	ssyncset.done $0x0  }
0x12: {  	[sflag:s13] =	ssyncadd.s32 $0xFFFFCE00  }
.LBB2_1:
0x13: {  	[tilespmem:s3], [sflag:$0x3] =	stream.strided.gather [hbm4b:s7+s9], $0x1680, s10, s9, $0x38;
	[tilespmem:$0x1D680] =	vst v63  }
0x14: {  	_ =	swait.ge [sflag:s11], $0x1680  }
0x15: {  	s15 =	simm.s32 $0x2E80;
	s16 =	simm.s32 $0x8;
	[sflag:s11] =	ssyncset.done $0x0  }
0x16: {  	s18 =	sadd.s32 $0x0, s5;
	s17 =	simm.s32 $0x2F00;
	[sflag:s11] =	ssyncadd.s32 $0xFFFFE980  }
.LBB2_2:
0x17: {  	[tilespmem:s15], [sflag:$0x3] =	stream.linear.gather [hbm4b:s18+s3], $0x40, $0x38;
	[tilespmem:$0x1D680] =	vst v63  }
0x18: {  	s18 =	smov.u32 s16;
	s15 =	smov.u32 s17;
	p0 =	sne.s32 s16, $0x98  }
.Ltmp2:
0x19: {  	s16 =	sadd.s32 $0x8, s16;
	(pc) =	sbr.rel @p0 .LBB2_2-.Ltmp2, $2  }
0x1a: {  	_ =	sdelay $0x2  }
0x1b: {  	s17 =	sadd.s32 $0x80, s17;
	s18 =	sadd.s32 s18, s5  }
0x1c: {  	[tilespmem:s15], [sflag:$0x3] =	stream.linear.gather [hbm4b:s18+s3], $0x40, $0x38;
	[tilespmem:$0x1D680] =	vst v63  }
0x1d: {  	_ =	swait.ge [sflag:s11], $0x500  }
0x1e: {  	s15 =	simm.s32 $0x9880;
	s16 =	simm.s32 $0x8;
	[sflag:s11] =	ssyncset.done $0x0  }
0x1f: {  	s18 =	sadd.s32 $0x0, s5;
	s17 =	simm.s32 $0x9900;
	[sflag:s11] =	ssyncadd.s32 $0xFFFFFB00  }
.LBB2_4:
0x20: {  	[tilespmem:s15], [sflag:$0x3] =	stream.linear.gather [hbm4b:s18+s3], $0x40, $0x38;
	[tilespmem:$0x1D680] =	vst v63  }
0x21: {  	s18 =	smov.u32 s16;
	s15 =	smov.u32 s17;
	p0 =	sne.s32 s16, $0x98  }
.Ltmp3:
0x22: {  	s16 =	sadd.s32 $0x8, s16;
	(pc) =	sbr.rel @p0 .LBB2_4-.Ltmp3, $2  }
0x23: {  	_ =	sdelay $0x2  }
0x24: {  	s17 =	sadd.s32 $0x80, s17;
	s18 =	sadd.s32 s18, s5  }
0x25: {  	[tilespmem:s15], [sflag:$0x3] =	stream.linear.gather [hbm4b:s18+s3], $0x40, $0x38;
	[tilespmem:$0x1D680] =	vst v63  }
0x26: {  	_ =	swait.ge [sflag:s11], $0x500  }
0x27: {  	s15 =	simm.s32 $0x10280;
	s16 =	simm.s32 $0x8;
	[sflag:s11] =	ssyncset.done $0x0  }
0x28: {  	s18 =	sadd.s32 $0x0, s5;
	s17 =	simm.s32 $0x10300;
	[sflag:s11] =	ssyncadd.s32 $0xFFFFFB00  }
.LBB2_6:
0x29: {  	[tilespmem:s15], [sflag:$0x3] =	stream.linear.gather [hbm4b:s18+s3], $0x40, $0x38;
	[tilespmem:$0x1D680] =	vst v63  }
0x2a: {  	s18 =	smov.u32 s16;
	s15 =	smov.u32 s17;
	p0 =	sne.s32 s16, $0x98  }
.Ltmp4:
0x2b: {  	s16 =	sadd.s32 $0x8, s16;
	(pc) =	sbr.rel @p0 .LBB2_6-.Ltmp4, $2  }
0x2c: {  	_ =	sdelay $0x2  }
0x2d: {  	s17 =	sadd.s32 $0x80, s17;
	s18 =	sadd.s32 s18, s5  }
0x2e: {  	[tilespmem:s15], [sflag:$0x3] =	stream.linear.gather [hbm4b:s18+s3], $0x40, $0x38;
	[tilespmem:$0x1D680] =	vst v63  }
0x2f: {  	_ =	swait.ge [sflag:s11], $0x500  }
0x30: {  	s16 =	simm.s32 $0x16C80;
	s15 =	simm.s32 $0x8;
	[sflag:s11] =	ssyncset.done $0x0  }
0x31: {  	s18 =	sadd.s32 $0x0, s5;
	s17 =	simm.s32 $0x16D00;
	[sflag:s11] =	ssyncadd.s32 $0xFFFFFB00  }
.LBB2_8:
0x32: {  	[tilespmem:s16], [sflag:$0x3] =	stream.linear.gather [hbm4b:s18+s3], $0x40, $0x38;
	[tilespmem:$0x1D680] =	vst v63  }
0x33: {  	s18 =	smov.u32 s15;
	s16 =	smov.u32 s17;
	p0 =	sne.s32 s15, $0x98  }
.Ltmp5:
0x34: {  	s15 =	sadd.s32 $0x8, s15;
	(pc) =	sbr.rel @p0 .LBB2_8-.Ltmp5, $2  }
0x35: {  	_ =	sdelay $0x2  }
0x36: {  	s17 =	sadd.s32 $0x80, s17;
	s18 =	sadd.s32 s18, s5  }
0x37: {  	s15 =	simm.s32 $0x0  }
0x38: {  	v12 =	vmov s15  }
0x39: {  	v12 =	vand.u32 $0x1F, v12  }
0x3a: {  	v12 =	vbroadcast v12, $0x0;
	_ =	sdelay $0x1  }
0x3b: {  	v13 =	vor.u32 v0, v12  }
0x3c: {  	[tilespmem:s16], [sflag:$0x3] =	stream.linear.gather [hbm4b:s18+s3], $0x40, $0x38;
	[tilespmem:$0x1D680] =	vst v63  }
0x3d: {  	_ =	swait.ge [sflag:s11], $0x500  }
0x3e: {  	[sflag:s11] =	ssyncset.done $0x0  }
0x3f: {  	[sflag:s11] =	ssyncadd.s32 $0xFFFFFB00  }
0x40: {  	v13 =	vld.idx.msk [tilespmem:v13+s15+$0x0], $0xffff  }
0x41: {  	v14 =	vor.u32 v1, v12;
	_ =	sdelay $0x2  }
0x42: {  	s16 =	simm.s32 $0x16E0  }
0x43: {  	[tilespmem:s16+$0xFFFFFFA0] =	vst v13  }
0x44: {  	v13 =	vld.idx.msk [tilespmem:v14+s15+$0x0], $0xffff  }
0x45: {  	v14 =	vor.u32 v2, v12;
	_ =	sdelay $0x3  }
0x46: {  	[tilespmem:s16+$0xFFFFFFB0] =	vst v13  }
0x47: {  	v13 =	vld.idx.msk [tilespmem:v14+s15+$0x0], $0xffff  }
0x48: {  	v14 =	vor.u32 v3, v12;
	_ =	sdelay $0x3  }
0x49: {  	[tilespmem:s16+$0xFFFFFFC0] =	vst v13  }
0x4a: {  	v13 =	vld.idx.msk [tilespmem:v14+s15+$0x0], $0xffff  }
0x4b: {  	v14 =	vor.u32 v4, v12;
	_ =	sdelay $0x3  }
0x4c: {  	[tilespmem:s16+$0xFFFFFFD0] =	vst v13  }
0x4d: {  	v13 =	vld.idx.msk [tilespmem:v14+s15+$0x0], $0xffff  }
0x4e: {  	v14 =	vor.u32 v5, v12;
	_ =	sdelay $0x3  }
0x4f: {  	[tilespmem:s16+$0xFFFFFFE0] =	vst v13  }
0x50: {  	v13 =	vld.idx.msk [tilespmem:v14+s15+$0x0], $0xffff  }
0x51: {  	v14 =	vor.u32 v6, v12;
	_ =	sdelay $0x3  }
0x52: {  	[tilespmem:s16+$0xFFFFFFF0] =	vst v13  }
0x53: {  	v13 =	vld.idx.msk [tilespmem:v14+s15+$0x0], $0xffff  }
0x54: {  	v14 =	vor.u32 v7, v12;
	_ =	sdelay $0x3  }
0x55: {  	[tilespmem:s16+$0x0] =	vst v13  }
0x56: {  	v13 =	vld.idx.msk [tilespmem:v14+s15+$0x0], $0xffff  }
0x57: {  	v14 =	vor.u32 v8, v12;
	_ =	sdelay $0x3  }
0x58: {  	[tilespmem:s16+$0x10] =	vst v13  }
0x59: {  	v13 =	vld.idx.msk [tilespmem:v14+s15+$0x0], $0xffff  }
0x5a: {  	v14 =	vor.u32 v9, v12;
	_ =	sdelay $0x3  }
0x5b: {  	[tilespmem:s16+$0x20] =	vst v13  }
0x5c: {  	v13 =	vld.idx.msk [tilespmem:v14+s15+$0x0], $0xffff  }
0x5d: {  	v14 =	vor.u32 v10, v12;
	_ =	sdelay $0x3  }
0x5e: {  	[tilespmem:s16+$0x30] =	vst v13  }
0x5f: {  	v13 =	vld.idx.msk [tilespmem:v14+s15+$0x0], $0xffff  }
0x60: {  	v12 =	vor.u32 v11, v12;
	_ =	sdelay $0x1  }
0x61: {  	s17 =	simm.s32 $0x1  }
0x62: {  	v14 =	vmov s17;
	s17 =	simm.s32 $0x2  }
.LBB2_10:
0x63: {  	p0 =	sne.s32 s17, $0x1F;
	v14 =	vand.u32 $0x1F, v14;
	[tilespmem:s16+$0x40] =	vst v13  }
0x64: {  	v14 =	vbroadcast v14, $0x0;
	v12 =	vld.idx.msk [tilespmem:v12+s15+$0x0], $0xffff;
	_ =	sdelay $0x1  }
0x65: {  	v13 =	vor.u32 v0, v14;
	_ =	sdelay $0x3  }
0x66: {  	[tilespmem:s16+$0x50] =	vst v12  }
0x67: {  	v12 =	vld.idx.msk [tilespmem:v13+s15+$0x0], $0xffff;
	_ =	sdelay $0x1  }
0x68: {  	v13 =	vor.u32 v1, v14;
	_ =	sdelay $0x2  }
0x69: {  	s16 =	sadd.s32 $0xC0, s16  }
0x6a: {  	[tilespmem:s16+$0xFFFFFFA0] =	vst v12  }
0x6b: {  	v12 =	vld.idx.msk [tilespmem:v13+s15+$0x0], $0xffff;
	_ =	sdelay $0x1  }
0x6c: {  	v13 =	vor.u32 v2, v14;
	_ =	sdelay $0x3  }
0x6d: {  	[tilespmem:s16+$0xFFFFFFB0] =	vst v12  }
0x6e: {  	v12 =	vld.idx.msk [tilespmem:v13+s15+$0x0], $0xffff;
	_ =	sdelay $0x1  }
0x6f: {  	v13 =	vor.u32 v3, v14;
	_ =	sdelay $0x3  }
0x70: {  	[tilespmem:s16+$0xFFFFFFC0] =	vst v12  }
0x71: {  	v12 =	vld.idx.msk [tilespmem:v13+s15+$0x0], $0xffff;
	_ =	sdelay $0x1  }
0x72: {  	v13 =	vor.u32 v4, v14;
	_ =	sdelay $0x3  }
0x73: {  	[tilespmem:s16+$0xFFFFFFD0] =	vst v12  }
0x74: {  	v12 =	vld.idx.msk [tilespmem:v13+s15+$0x0], $0xffff;
	_ =	sdelay $0x1  }
0x75: {  	v13 =	vor.u32 v5, v14;
	_ =	sdelay $0x3  }
0x76: {  	[tilespmem:s16+$0xFFFFFFE0] =	vst v12  }
0x77: {  	v12 =	vld.idx.msk [tilespmem:v13+s15+$0x0], $0xffff;
	_ =	sdelay $0x1  }
0x78: {  	v13 =	vor.u32 v6, v14;
	_ =	sdelay $0x3  }
0x79: {  	[tilespmem:s16+$0xFFFFFFF0] =	vst v12  }
0x7a: {  	v12 =	vld.idx.msk [tilespmem:v13+s15+$0x0], $0xffff;
	_ =	sdelay $0x1  }
0x7b: {  	v13 =	vor.u32 v7, v14;
	_ =	sdelay $0x3  }
0x7c: {  	[tilespmem:s16+$0x0] =	vst v12  }
0x7d: {  	v12 =	vld.idx.msk [tilespmem:v13+s15+$0x0], $0xffff;
	_ =	sdelay $0x1  }
0x7e: {  	v13 =	vor.u32 v8, v14;
	_ =	sdelay $0x3  }
0x7f: {  	[tilespmem:s16+$0x10] =	vst v12  }
0x80: {  	v12 =	vld.idx.msk [tilespmem:v13+s15+$0x0], $0xffff;
	_ =	sdelay $0x1  }
0x81: {  	v13 =	vor.u32 v9, v14;
	_ =	sdelay $0x3  }
0x82: {  	[tilespmem:s16+$0x20] =	vst v12  }
0x83: {  	v12 =	vld.idx.msk [tilespmem:v13+s15+$0x0], $0xffff;
	_ =	sdelay $0x1  }
0x84: {  	v13 =	vor.u32 v10, v14;
	_ =	sdelay $0x3  }
0x85: {  	[tilespmem:s16+$0x30] =	vst v12  }
0x86: {  	v13 =	vld.idx.msk [tilespmem:v13+s15+$0x0], $0xffff  }
.Ltmp6:
0x87: {  	(pc) =	sbr.rel @p0 .LBB2_10-.Ltmp6, $2  }
0x88: {  	v12 =	vor.u32 v11, v14;
	_ =	sdelay $0x2  }
0x89: {  	v14 =	vmov s17;
	s17 =	sadd.s32 $0x1, s17  }
0x8a: {  	_ =	sdelay $0x1  }
0x8b: {  	v14 =	vand.u32 $0x1F, v14  }
0x8c: {  	[tilespmem:s16+$0x40] =	vst v13;
	v53 =	vbroadcast v14, $0x0  }
0x8d: {  	v12 =	vld.idx.msk [tilespmem:v12+s15+$0x0], $0xffff  }
0x8e: {  	v14 =	vor.u32 v0, v53;
	_ =	sdelay $0x3  }
0x8f: {  	[tilespmem:s16+$0x50] =	vst v12  }
0x90: {  	v12 =	vld.idx.msk [tilespmem:v14+s15+$0x0], $0xffff  }
0x91: {  	v54 =	vor.u32 v1, v53;
	_ =	sdelay $0x2  }
0x92: {  	s31 =	sadd.s32 $0xC0, s16  }
0x93: {  	[tilespmem:s31+$0xFFFFFFA0] =	vst v12  }
0x94: {  	v12 =	vld.idx.msk [tilespmem:v54+s15+$0x0], $0xffff  }
0x95: {  	v55 =	vor.u32 v2, v53;
	_ =	sdelay $0x3  }
0x96: {  	[tilespmem:s31+$0xFFFFFFB0] =	vst v12  }
0x97: {  	v12 =	vld.idx.msk [tilespmem:v55+s15+$0x0], $0xffff  }
0x98: {  	v56 =	vor.u32 v3, v53;
	_ =	sdelay $0x3  }
0x99: {  	[tilespmem:s31+$0xFFFFFFC0] =	vst v12  }
0x9a: {  	v12 =	vld.idx.msk [tilespmem:v56+s15+$0x0], $0xffff  }
0x9b: {  	v57 =	vor.u32 v4, v53;
	_ =	sdelay $0x3  }
0x9c: {  	[tilespmem:s31+$0xFFFFFFD0] =	vst v12  }
0x9d: {  	v12 =	vld.idx.msk [tilespmem:v57+s15+$0x0], $0xffff  }
0x9e: {  	v58 =	vor.u32 v5, v53;
	_ =	sdelay $0x3  }
0x9f: {  	[tilespmem:s31+$0xFFFFFFE0] =	vst v12  }
0xa0: {  	v12 =	vld.idx.msk [tilespmem:v58+s15+$0x0], $0xffff  }
0xa1: {  	v59 =	vor.u32 v6, v53;
	_ =	sdelay $0x3  }
0xa2: {  	[tilespmem:s31+$0xFFFFFFF0] =	vst v12  }
0xa3: {  	v12 =	vld.idx.msk [tilespmem:v59+s15+$0x0], $0xffff  }
0xa4: {  	v60 =	vor.u32 v7, v53;
	_ =	sdelay $0x3  }
0xa5: {  	[tilespmem:s31+$0x0] =	vst v12  }
0xa6: {  	v12 =	vld.idx.msk [tilespmem:v60+s15+$0x0], $0xffff  }
0xa7: {  	v61 =	vor.u32 v8, v53;
	_ =	sdelay $0x3  }
0xa8: {  	[tilespmem:s31+$0x10] =	vst v12  }
0xa9: {  	v12 =	vld.idx.msk [tilespmem:v61+s15+$0x0], $0xffff  }
0xaa: {  	v62 =	vor.u32 v9, v53;
	_ =	sdelay $0x3  }
0xab: {  	[tilespmem:s31+$0x20] =	vst v12  }
0xac: {  	v12 =	vld.idx.msk [tilespmem:v62+s15+$0x0], $0xffff  }
0xad: {  	v63 =	vor.u32 v10, v53;
	_ =	sdelay $0x3  }
0xae: {  	[tilespmem:s31+$0x30] =	vst v12  }
0xaf: {  	v12 =	vld.idx.msk [tilespmem:v63+s15+$0x0], $0xffff  }
0xb0: {  	v13 =	vor.u32 v11, v53;
	_ =	sdelay $0x3  }
0xb1: {  	[tilespmem:s31+$0x40] =	vst v12  }
0xb2: {  	v12 =	vld.idx.msk [tilespmem:v13+s15+$0x0], $0xffff  }
.Ltmp7:
0xb3: {  	_ = 	snop;
	(pc) =	sbr.rel .LBB2_12-.Ltmp7, $2  }
0xb4: {  	_ =	sdelay $0x2  }
0xb5: {  	s16 =	simm.s32 $0x2;
	[tilespmem:s31+$0x50] =	vst v12  }
.LBB2_16:
0xb6: {  	s15 =	sadd.s32 $0x1, s15  }
0xb7: {  	p0 =	sne.s32 s15, $0x22  }
.Ltmp8:
0xb8: {  	_ = 	snop;
	(pc) =	sbr.rel @!p0 .LBB2_17-.Ltmp8, $2  }
0xb9: {  	_ =	sdelay $0x2  }
0xba: {  	s16 =	sadd.s32 $0x1, s16  }
.LBB2_12:
0xbb: {  	p1 =	slt.u32 s15, $0x4  }
0xbc: {  	p0 =	sgt.u32 @!p1 s15, $0x1F  }
0xbd: {  	s17 =	sand.u32 $0x3, s15;
	p0 =	por p1, !p0  }
0xbe: {  	s18 =	simm.s32 @!p1 $0x2;
	s17 =	smul.u32 @p0 $0x1A800, s17  }
0xbf: {  	_ =	swait.ge @!p1 [sflag:s18], $0x3200;
	s19 =	smul.u32 @p0 $0x300, s15  }
0xc0: {  	[sflag:s18] =	ssyncset.done @!p1 $0x0  }
0xc1: {  	[sflag:s18] =	ssyncadd.s32 @!p1 $0xFFFFCE00;
	s17 =	sshrl.u32 @p0 s17, $0x2;
	s18 =	sshra.s32 @p0 s19, $0x2  }
0xc2: {  	s21 =	simm.s32 @p0 $0x60;
	s19 =	sadd.s32 @p0 $0x3880, s17;
	s20 =	sadd.s32 @p0 $0x1680, s18  }
0xc3: {  	[tilespmem:s19], [sflag:$0x1] =	stream.indirect.gather @p0 [hbm4b:s6+s21], $0x80, s20, s21, $0xb8;
	[tilespmem:$0x1D680] =	vst v63  }
0xc4: {  	p1 =	slt.u32 @p0 s15, $0x2;
	s17 =	sadd.s32 @p0 $0x6880, s17;
	s18 =	sadd.s32 @p0 $0x16E0, s18  }
0xc5: {  	[tilespmem:s17], [sflag:$0x1] =	stream.indirect.gather @p0 [hbm4b:s6+s21], $0x80, s18, s21, $0xb8;
	[tilespmem:$0x1D680] =	vst v63  }
0xc6: {  	p0 =	por !p0, !p1  }
.Ltmp9:
0xc7: {  	_ = 	snop;
	(pc) =	sbr.rel @!p0 .LBB2_16-.Ltmp9, $1  }
0xc8: {  	_ =	sdelay $0x3  }
0xc9: {  	s17 =	sand.u32 $0x3, s16  }
0xca: {  	_ =	swait.ge [sflag:s12], $0x3000;
	s18 =	sadd.s32 s4, s15;
	s17 =	smul.u32 $0x1A800, s17  }
0xcb: {  	[sflag:s12] =	ssyncset.done $0x0;
	s18 =	smul.u32 $0x640, s18  }
0xcc: {  	s19 =	simm.s32 $0x8;
	[sflag:s12] =	ssyncadd.s32 $0xFFFFD000  }
0xcd: {  	_ =	swait.ge [sflag:s12], $0x3000;
	s17 =	sshrl.u32 s17, $0x2;
	s18 =	sadd.s32 s2, s18  }
0xce: {  	[sflag:s12] =	ssyncset.done $0x0;
	s17 =	sadd.s32 $0x2E80, s17;
	s18 =	sadd.s32 $0xFFFFF380, s18  }
0xcf: {  	[sflag:s12] =	ssyncadd.s32 $0xFFFFD000;
	s21 =	sadd.s32 $0x0, s18;
	s20 =	sadd.s32 $0x80, s17  }
.LBB2_14:
0xd0: {  	[hbm4b:s21+s3] =	stream.linear.scatter [tilespmem:s17], [sflag:$0x2], $0x40, $0x38;
	[tilespmem:$0x1D680] =	vst v63  }
0xd1: {  	s21 =	smov.u32 s19;
	s17 =	smov.u32 s20;
	p0 =	sne.s32 s19, $0x638  }
.Ltmp10:
0xd2: {  	s19 =	sadd.s32 $0x8, s19;
	(pc) =	sbr.rel @p0 .LBB2_14-.Ltmp10, $2  }
0xd3: {  	_ =	sdelay $0x2  }
0xd4: {  	s20 =	sadd.s32 $0x80, s20;
	s21 =	sadd.s32 s21, s18  }
.Ltmp11:
0xd5: {  	(pc) =	sbr.rel .LBB2_16-.Ltmp11, $2  }
0xd6: {  	_ =	sdelay $0x2  }
0xd7: {  	[hbm4b:s21+s3] =	stream.linear.scatter [tilespmem:s17], [sflag:$0x2], $0x40, $0x38;
	[tilespmem:$0x1D680] =	vst v63  }
.LBB2_18:
0xd8: {  	_ =	sfence.sel $0x180000  }
0xd9: {  	[bflag:$0x0] =	sbarrier.arrive $0xFFFF  }
0xda: {  	p0 =	sne.s32 s1, $0x0;
	_ =	strace $0x9000004A  }
0xdb: {  	s0 =	sadd.s32 @!p0 $0x100000, s0;
	[bflag:$0x2] =	sbarrier.arrive $0xFFFF  }
0xdc: {  	[sflag:s0] =	ssyncadd.tile.s32 @!p0 $0x1;
	_ =	shalt  }
.Lfunc_end2:
_tile_overlayer_lowered:
.L_overlay_start_2:
0xdd: {  	(tag) =	ssettag $0x2  }
0xde: {  	s0 =	rddreg [dreg:$0x0];
	s2 =	stileid.u32  }
0xdf: {  	s1 =	rddreg [dreg:$0x1];
	p0 =	sne.s32 s2, $0x0  }
0xe0: {  	s3 =	rddreg [dreg:$0x2];
	[bflag:$0x3] =	sbarrier.arrive $0xFFFF;
	s2 =	simm.s32 @!p0 $0x1C03  }
0xe1: {  	[timem:s3], [sflag:s2] =	dma.local @!p0 [hbm:s0], s1  }
0xe2: {  	s0 =	simm.s32 @!p0 $0x3  }
0xe3: {  	_ =	swait.ge @!p0 [sflag:s0], s1  }
0xe4: {  	s1 =	ssub.s32 @!p0 $0x0, s1;
	[sflag:s0] =	ssyncset.done @!p0 $0x0  }
0xe5: {  	[sflag:s0] =	ssyncadd.s32 @!p0 s1  }
0xe6: {  	[bflag:$0x3] =	sbarrier.arrive $0xFFFF  }
0xe7: {  	_ =	shalt  }

// kernel: sparse-core-data-format-call.cloned.1.call-start
scs
called_computation_lowered:
.L_overlay_start_0:
0x0: {  	s2 =	sld [smem:$0x3FD9]  }
0x1: {  	s3 =	sld [smem:$0x3FFE];
	_ =	sdelay $0x1  }
0x2: {  	s1 =	srdreg.scid  }
0x3: {  	s0 =	sand.u32 $0x1, s1  }
0x4: {  	s18 =	sshll.u32 s0, $0xA;
	s2 =	sadd.s32 s3, s2  }
0x5: {  	s2 =	sadd.s32 s2, s18  }
0x6: {  	[smem:$0x3FC5] =	sst s2  }
0x7: {  	_ = 	snop  }
0x8: {  	s2 =	sld [smem:$0x3FD0];
	(tm) =	ssettm $0x1  }
0x9: {  	s19 =	sld [smem:$0x3FFB];
	_ =	sdelay $0x3  }
0xa: {  	_ =	strace s19  }
0xb: {  	s3 =	sld [smem:$0x3FFC];
	_ =	sdelay $0x3  }
0xc: {  	_ =	strace s3  }
0xd: {  	s3 =	sld [smem:$0x3FFD];
	_ =	sdelay $0x3  }
0xe: {  	_ =	strace s3  }
0xf: {  	_ =	strace $0x8FFFFFFF  }
0x10: {  	s20 =	sld [smem:$0x3FDB];
	_ =	sdelay $0x1  }
0x11: {  	s4 =	simm.s32 $_scs_section_size  }
0x12: {  	s5 =	simm.s32 $_size__tile_overlayer_lowered;
	s6 =	simm.s32 $_tile_overlayer_lowered  }
0x13: {  	s23 =	simm.s32 $0x1BFF;
	s22 =	sshll.u32 s6, $0x1;
	s3 =	sadd.s32 s4, s20  }
0x14: {  	s7 =	simm.s32 $0x0;
	s21 =	sshll.u32 s5, $0x1;
	s5 =	sadd.s32 s22, s3  }
0x15: {  	[timem:s7], [sflag:s23] =	dma.local [hbm:s5], s21  }
0x16: {  	_ =	swait.ge [sflag:s23], s21  }
0x17: {  	s4 =	ssub.s32 $0x0, s21;
	[sflag:s23] =	ssyncset.done $0x0  }
0x18: {  	[sflag:s23] =	ssyncadd.s32 s4;
	_ =	sdelay $0x1  }
0x19: {  	s24 =	simm.s32 $0x1B8B  }
0x1a: {  	_ =	swait.ge [sflag:s24], $0x1  }
0x1b: {  	[sflag:s24] =	ssyncset.done $0x0  }
0x1c: {  	s26 =	simm.s32 $0x1B8E;
	s25 =	sld [smem:$0x3FFE];
	[sflag:s24] =	ssyncadd.s32 $0xFFFFFFFF  }
0x1d: {  	s27 =	simm.s32 $execute0_lowered;
	[smem:$0x3FD2] =	sst s26  }
0x1e: {  	s5 =	sshll.u32 s27, $0x1;
	_ =	strace $0x8000004C;
	[dreg:$0x1] =	wrdreg $0xFFFFFFFF  }
0x1f: {  	s28 =	simm.s32 $_size_execute0_lowered;
	s3 =	sadd.s32 s3, s5;
	[dreg:$0x0] =	wrdreg $0x0  }
0x20: {  	s5 =	sshll.u32 s28, $0x1;
	[dreg:$0x2] =	wrdreg s3  }
0x21: {  	[dreg:$0x3] =	wrdreg s5  }
0x22: {  	[dreg:$0x4] =	wrdreg $0xC0  }
0x23: {  	_ =	task [dreg:s7], $0x5FFFF  }
0x24: {  	[dreg:$0x1] =	wrdreg $0xFFFFFFFF  }
0x25: {  	[dreg:$0x0] =	wrdreg $0x60  }
0x26: {  	[dreg:$0x2] =	wrdreg s25  }
0x27: {  	[dreg:$0x3] =	wrdreg s2  }
0x28: {  	[dreg:$0x4] =	wrdreg $0x9  }
0x29: {  	_ =	task.clear_ibuf [dreg:s7], $0x5FFFF;
	_ =	strace $0x9000004C  }
0x2a: {  	s29 =	simm.s32 $0x9;
	_ =	strace $0x8000004E  }
0x2b: {  	_ =	swait.ge [sflag:s29], $0x1  }
0x2c: {  	[sflag:s29] =	ssyncadd.s32 $0xFFFFFFFF  }
0x2d: {  	_ =	strace $0x9000004E  }
0x2e: {  	_ =	sfence  }
0x2f: {  	s30 =	sld [smem:$0x0];
	_ =	sdelay $0x2  }
0x30: {  	s31 =	sshll.u32 s1, $0xD;
	s1 =	sshrl.u32 s1, $0x2  }
0x31: {  	s3 =	sand.u32 $0x4000, s31;
	s1 =	sadd.s32 s1, s30  }
0x32: {  	s0 =	sor.u32 s3, s0;
	s1 =	sshll.u32 s1, $0x11  }
0x33: {  	s0 =	sor.u32 s1, s0  }
0x34: {  	s0 =	sadd.s32 $0x8F2B, s0  }
0x35: {  	[sflag:s0] =	ssyncadd.remote.s32 $0x1  }
0x36: {  	_ =	sfence.sel $0xFFFF  }
0x37: {  	[dreg:$0x0] =	wrdreg $0xFFFFFFFF;
	(pc) =	sbr.abs _section_cstart, $3  }
0x38: {  	[dreg:$0x1] =	wrdreg $0xFFFFFFFF  }
0x39: {  	_ =	task.clear_ibuf [dreg:s7], $0x2FFFF;
	_ =	strace $0x9FFFFFFF  }
0x3a: {  	(tm) =	ssettm $0x7FFFFFFF  }
0x3b: {  	_ =	shalt  }
tec
execute0_lowered:
.L_overlay_start_1:
0x0: {  	(tag) =	ssettag $0x1  }
0x1: {  	s0 =	stileid.u32;
	s6 =	rddreg [dreg:$0x0]  }
0x2: {  	s2 =	rddreg [dreg:$0x1];
	s5 =	srdreg.scid  }
0x3: {  	s31 =	simm.s32 $0x2;
	s13 =	simm.s32 $0x0;
	s1 =	sshll.u32 s0, $0x7  }
0x4: {  	s14 =	simm.s32 $0x0;
	s12 =	simm.s32 $0x0;
	s3 =	sand.u32 $0x380, s1  }
0x5: {  	s5 =	sshll.u32 s5, $0x4;
	s6 =	sadd.s32 $0x1000, s6;
	s4 =	ssub.s32 $0x400, s3  }
0x6: {  	s1 =	rddreg [dreg:$0x2];
	_ =	strace $0x8000004D;
	s7 =	sand.u32 $0x380, s4  }
0x7: {  	s5 =	sand.u32 $0x10, s5;
	p0 =	sne.s32 s7, $0x0;
	s7 =	simm.s32 $0x1  }
.Ltmp0:
0x8: {  	s8 =	sshrl.u32 s4, $0xA;
	s7 =	simm.s32 @!p0 $0x0;
	(pc) =	sbr.rel .LBB1_1-.Ltmp0, $4  }
0x9: {  	s9 =	sor.u32 s0, s5;
	s4 =	simm.s32 $0x1;
	s30 =	sadd.s32 s7, s8  }
0xa: {  	s11 =	smov.u32 s3;
	[sflag:s4] =	ssyncpa.u1 $0x0;
	s5 =	smul.u32 $0x32, s30  }
0xb: {  	[sflag:s31] =	ssyncpa.u1 $0x0;
	p0 =	por $0x0, $0x0;
	s7 =	sshrl.u32 s9, $0x3  }
0xc: {  	s9 =	simm.s32 $0x2000;
	s10 =	smov.u32 s7;
	s8 =	sor.u32 $0x1, s5  }
.LBB1_4:
0xd: {  	s17 =	sand.u32 $0x1F80, s14;
	s13 =	sshll.u32 s13, $0xD  }
0xe: {  	[tilespmem:s16+$0x810 ss:$0x81] =	vst.msk $0xffff, v2;
	s18 =	sshrl.u32 s14, $0x3;
	s31 =	sand.u32 $0x7, s14;
	s17 =	sadd.s32 s2, s17  }
0xf: {  	[tilespmem:s16+$0x1020 ss:$0x81] =	vst.msk $0xffff, v0;
	s18 =	sand.u32 $0xF, s18;
	s14 =	sshll.u32 s31, $0x12;
	s13 =	sadd.s32 s13, s17  }
0x10: {  	[tilespmem:s16+$0x0 ss:$0x81] =	vst.msk $0xffff, v1;
	s14 =	sor.u32 $0x400, s14;
	s13 =	sadd.s32 s18, s13  }
0x11: {  	[hbm4b:s13+s14] =	stream.strided.scatter [tilespmem:s15], [sflag:$0x2], $0x2000, s9, s14, $0x20;
	[tilespmem:$0x8080] =	vst v63  }
.LBB1_5:
0x12: {  	s15 =	sadd.s32 $0x4, s10  }
0x13: {  	s13 =	sadd.s32 $0x400, s11;
	s17 =	smov.u32 s11;
	p2 =	sgt.s32 s15, $0xC7  }
0x14: {  	s17 =	smov.u32 @p2 s13  }
0x15: {  	s15 =	smov.u32 @p2 s7;
	p2 =	sgt.s32 s17, $0x3FF  }
0x16: {  	s17 =	smov.u32 @p2 s3;
	p2 =	sne.s32 s12, s8  }
.Ltmp1:
0x17: {  	p1 =	slt.u32 s12, $0x2;
	(pc) =	sbr.rel @!p2 .LBB1_6-.Ltmp1, $4  }
0x18: {  	s16 =	simm.s32 @!p1 $0x2  }
0x19: {  	s14 =	smov.u32 s11;
	p0 =	por !p0, !p0;
	_ =	swait.ge @!p1 [sflag:s16], $0x2000  }
0x1a: {  	s13 =	smov.u32 s10;
	[sflag:s16] =	ssyncset.done @!p1 $0x0;
	s10 =	smov.u32 s15  }
0x1b: {  	s12 =	sadd.s32 $0x1, s12;
	[sflag:s16] =	ssyncadd.s32 @!p1 $0xFFFFE000;
	s11 =	smov.u32 s17  }
.LBB1_1:
0x1c: {  	p1 =	sge.u32 s12, s5  }
0x1d: {  	s15 =	sand.u32 @!p1 $0x1FFFFFF, s10  }
0x1e: {  	s16 =	smulhi.u32 @!p1 $0x147AE15, s15;
	_ =	sdelay $0x1  }
0x1f: {  	s16 =	smul.u32 @!p1 $0xC8, s16  }
0x20: {  	s17 =	sxor.u32 @!p1 $0xFFFFFFFF, s12;
	s18 =	smul.u32 @!p1 $0xC80, s11  }
0x21: {  	s31 =	sadd.s32 $0xFFFFFFFF, s12;
	s17 =	sshll.u32 @!p1 s17, $0xD;
	s15 =	ssub.s32 @!p1 s15, s16  }
0x22: {  	s16 =	sand.u32 @!p1 $0x2000, s17;
	s17 =	sadd.s32 @!p1 s6, s18;
	s15 =	sshll.u32 @!p1 s15, $0x4  }
0x23: {  	s18 =	simm.s32 @!p1 $0x6400;
	s15 =	sadd.s32 @!p1 s15, s17;
	s17 =	simm.s32 @!p1 $0x40  }
0x24: {  	[tilespmem:s16], [sflag:$0x1] =	stream.strided.gather @!p1 [hbm4b:s15+s17], $0x2000, s18, s17, $0x38;
	[tilespmem:$0x8080] =	vst v63  }
0x25: {  	p1 =	sge.u32 s31, s5  }
.Ltmp2:
0x26: {  	_ = 	snop;
	(pc) =	sbr.rel @p1 .LBB1_5-.Ltmp2, $1  }
0x27: {  	_ =	sdelay $0x3  }
0x28: {  	s15 =	simm.s32 $0x1  }
0x29: {  	_ =	swait.ge [sflag:s4], $0x2000;
	s15 =	simm.s32 @!p0 $0x0  }
0x2a: {  	[sflag:s4] =	ssyncset.done $0x0;
	s16 =	sshll.u32 s15, $0xD  }
0x2b: {  	[sflag:s4] =	ssyncadd.s32 $0xFFFFE000;
	s19 =	sor.u32 $0x20, s16  }
0x2c: {  	s15 =	smul.u32 $0x8100, s15;
	v3 =	vld [tilespmem:s19+$0x10]  }
0x2d: {  	s30 =	sand.u32 $0x1, s12;
	v2 =	vld [tilespmem:s19+$0xFFFFFFF0]  }
0x2e: {  	s16 =	smul.u32 $0x8100, s30;
	s15 =	sshrl.u32 s15, $0x2;
	v0 =	vld [tilespmem:s19+$0x0]  }
0x2f: {  	v1 =	vld [tilespmem:s19+$0xFFFFFFE0];
	s17 =	sor.u32 $0x4000, s15  }
0x30: {  	s31 =	sshrl.u32 s16, $0x2;
	s16 =	sadd.s32 $0x0, s17  }
0x31: {  	s18 =	simm.s32 $0x4;
	s19 =	sadd.s32 $0x40, s19;
	s15 =	sor.u32 $0x4000, s31;
	[tilespmem:s16+$0x1830 ss:$0x81] =	vst.msk $0xffff, v3  }
.LBB1_3:
0x32: {  	v3 =	vld [tilespmem:s19+$0x10];
	p1 =	sne.s32 s18, $0x1FC;
	[tilespmem:s16+$0x810 ss:$0x81] =	vst.msk $0xffff, v2;
	s20 =	smov.u32 s18;
	s18 =	sadd.s32 $0x4, s18  }
.Ltmp3:
0x33: {  	v2 =	vld [tilespmem:s19+$0xFFFFFFF0];
	[tilespmem:s16+$0x1020 ss:$0x81] =	vst.msk $0xffff, v0;
	(pc) =	sbr.rel @p1 .LBB1_3-.Ltmp3, $4  }
0x34: {  	v0 =	vld [tilespmem:s19+$0x0];
	[tilespmem:s16+$0x0 ss:$0x81] =	vst.msk $0xffff, v1  }
0x35: {  	s16 =	sshra.s32 s20, $0x2;
	v1 =	vld [tilespmem:s19+$0xFFFFFFE0]  }
0x36: {  	s16 =	sadd.s32 s16, s17  }
0x37: {  	s19 =	sadd.s32 $0x40, s19;
	[tilespmem:s16+$0x1830 ss:$0x81] =	vst.msk $0xffff, v3  }
.Ltmp4:
0x38: {  	_ = 	snop;
	(pc) =	sbr.rel .LBB1_4-.Ltmp4, $1  }
0x39: {  	_ =	sdelay $0x3  }
.LBB1_6:
0x3a: {  	_ =	sfence.sel $0x180000  }
0x3b: {  	s2 =	simm.s32 $0x1;
	[bflag:$0x0] =	sbarrier.arrive $0xFFFF  }
0x3c: {  	s31 =	simm.s32 $0x2;
	[sflag:s2] =	ssyncpa.u1 $0x1  }
0x3d: {  	[sflag:s31] =	ssyncpa.u1 $0x1  }
0x3e: {  	p0 =	sne.s32 s0, $0x0;
	_ =	strace $0x9000004D  }
0x3f: {  	s0 =	sadd.s32 @!p0 $0x100000, s1;
	[bflag:$0x2] =	sbarrier.arrive $0xFFFF  }
0x40: {  	[sflag:s0] =	ssyncadd.tile.s32 @!p0 $0x1;
	_ =	shalt  }
.Lfunc_end1:
_tile_overlayer_lowered:
.L_overlay_start_2:
0x41: {  	(tag) =	ssettag $0x2  }
0x42: {  	s0 =	rddreg [dreg:$0x0];
	s2 =	stileid.u32  }
0x43: {  	s1 =	rddreg [dreg:$0x1];
	p0 =	sne.s32 s2, $0x0  }
0x44: {  	s3 =	rddreg [dreg:$0x2];
	[bflag:$0x3] =	sbarrier.arrive $0xFFFF;
	s2 =	simm.s32 @!p0 $0x1C01  }
0x45: {  	[timem:s3], [sflag:s2] =	dma.local @!p0 [hbm:s0], s1  }
0x46: {  	s0 =	simm.s32 @!p0 $0x1  }
0x47: {  	_ =	swait.ge @!p0 [sflag:s0], s1  }
0x48: {  	s1 =	ssub.s32 @!p0 $0x0, s1;
	[sflag:s0] =	ssyncset.done @!p0 $0x0  }
0x49: {  	[sflag:s0] =	ssyncadd.s32 @!p0 s1  }
0x4a: {  	[bflag:$0x3] =	sbarrier.arrive $0xFFFF  }
0x4b: {  	_ =	shalt  }

</sc_bundles>
